<compile_context>
chip_gen: v7x
topology: tpu7x:2x2x1
jax: 0.10.2.dev20260603
libtpu: 0.0.44.dev20260713+nightly
codegen_flags: <defaults>
</compile_context>

<pallas_src>
import functools

import jax
import jax.numpy as jnp
from jax import lax
from jax.experimental import pallas as pl
from jax.experimental.pallas import tpu as pltpu
from jax.experimental.pallas import tpu_sc as plsc

T, D, E, K, FF, NSH = 2048, 1024, 8, 2, 512, 2
RSF = 2.5
BM = 512
NB = 16
NRP = NB * BM
TBK = 512
NTB1 = T // TBK



def _p1_body(x_ref, gate_ref, bias_ref, dest_ref, cwrep_ref, bexp_ref,
             c_all_ref, imeta_ref, carry_ref):
    s = pl.program_id(0)

    @pl.when(s == 0)
    def _():
        carry_ref[...] = jnp.zeros_like(carry_ref)

    @pl.when(s < NTB1)
    def _gate_block():
        sl = pl.ds(s * TBK, TBK)
        x = x_ref[sl, :]
        logits = jnp.dot(x, gate_ref[...], preferred_element_type=jnp.float32)
        scores = jax.nn.sigmoid(logits)
        sc = scores + bias_ref[...]
        e_iota = lax.broadcasted_iota(jnp.int32, sc.shape, 1)
        m1 = jnp.max(sc, axis=1, keepdims=True)
        i1 = jnp.min(jnp.where(sc == m1, e_iota, E), axis=1, keepdims=True)
        sc2 = jnp.where(e_iota == i1, -jnp.inf, sc)
        m2 = jnp.max(sc2, axis=1, keepdims=True)
        i2 = jnp.min(jnp.where(sc2 == m2, e_iota, E), axis=1, keepdims=True)
        w1 = jnp.sum(jnp.where(e_iota == i1, scores, 0.0), axis=1,
                     keepdims=True)
        w2s = jnp.sum(jnp.where(e_iota == i2, scores, 0.0), axis=1,
                      keepdims=True)
        denom = w1 + w2s + 1e-20
        cw1 = w1 / denom * RSF
        cw2 = w2s / denom * RSF
        imeta_ref[sl, 0:1] = i1.astype(jnp.float32)
        imeta_ref[sl, 1:2] = i2.astype(jnp.float32)
        lane = lax.broadcasted_iota(jnp.int32, (TBK, 128), 1)
        cwrep_ref[sl, :] = jnp.where(lane < 16, cw1,
                                     jnp.where(lane < 32, cw2, 0.0))
        onehot = ((e_iota == i1) | (e_iota == i2)).astype(jnp.float32)
        r_io = lax.broadcasted_iota(jnp.int32, (TBK, TBK), 0)
        c_io = lax.broadcasted_iota(jnp.int32, (TBK, TBK), 1)
        tril = (c_io < r_io).astype(jnp.float32)
        c_excl = jnp.dot(tril, onehot, preferred_element_type=jnp.float32)
        c_all_ref[sl, :] = c_excl + carry_ref[0:1, :8]
        carry_ref[0:1, :8] += jnp.sum(onehot, axis=0, keepdims=True)

    @pl.when(s == NTB1)
    def _finalize():
        counts = carry_ref[0:1, :8]
        rc = jnp.ceil(counts / BM) * BM
        j_io = lax.broadcasted_iota(jnp.int32, (8, 8), 0)
        e_io = lax.broadcasted_iota(jnp.int32, (8, 8), 1)
        triu = (j_io < e_io).astype(jnp.float32)
        po = jnp.dot(rc, triu, preferred_element_type=jnp.float32)
        po_end = po + rc
        dest_all = po + c_all_ref[...]
        i1 = imeta_ref[:, 0:1]
        i2 = imeta_ref[:, 1:2]
        e_iota = lax.broadcasted_iota(jnp.int32, (T, 8), 1).astype(jnp.float32)
        d0 = jnp.sum(jnp.where(e_iota == i1, dest_all, 0.0), axis=1,
                     keepdims=True)
        d1 = jnp.sum(jnp.where(e_iota == i2, dest_all, 0.0), axis=1,
                     keepdims=True)
        lane = lax.broadcasted_iota(jnp.int32, (T, 128), 1)
        dest_ref[...] = jnp.where(
            lane == 0, d0, jnp.where(lane == 1, d1, 0.0)).astype(jnp.int32)
        blane = lax.broadcasted_iota(
            jnp.int32, (8, 128), 1).astype(jnp.float32) * BM
        be = jnp.zeros((8, 128), jnp.float32)
        for e in range(8):
            be += (blane >= po_end[0, e]).astype(jnp.float32)
        bexp_ref[...] = jnp.clip(be, 0, E - 1).astype(jnp.int32)


def _p1(x, gate_w, bias2d):
    return pl.pallas_call(
        _p1_body,
        grid=(NTB1 + 1,),
        in_specs=[
            pl.BlockSpec((T, D), lambda s: (0, 0)),
            pl.BlockSpec((D, E), lambda s: (0, 0)),
            pl.BlockSpec((1, E), lambda s: (0, 0)),
        ],
        out_specs=[
            pl.BlockSpec((T, 128), lambda s: (0, 0)),
            pl.BlockSpec((T, 128), lambda s: (0, 0)),
            pl.BlockSpec((8, 128), lambda s: (0, 0)),
        ],
        out_shape=[
            jax.ShapeDtypeStruct((T, 128), jnp.int32),
            jax.ShapeDtypeStruct((T, 128), jnp.float32),
            jax.ShapeDtypeStruct((8, 128), jnp.int32),
        ],
        scratch_shapes=[
            pltpu.VMEM((T, 8), jnp.float32),
            pltpu.VMEM((T, 8), jnp.float32),
            pltpu.VMEM((8, 128), jnp.float32),
        ],
        compiler_params=pltpu.CompilerParams(
            vmem_limit_bytes=100 * 1024 * 1024),
    )(x, gate_w, bias2d)



def _sc_mesh():
    return plsc.VectorSubcoreMesh(core_axis_name="c", subcore_axis_name="s")


NW = 32
TPW = T // NW
SUB = 16


def _p2_kernel(x_hbm, d0_hbm, d1_hbm, xs_hbm, xbuf, d0buf, d1buf, sem0, sem1):
    wid = lax.axis_index("s") * 2 + lax.axis_index("c")
    for j in range(TPW // SUB):
        t0 = wid * TPW + j * SUB
        pltpu.sync_copy(d0_hbm.at[pl.ds(t0, SUB)], d0buf)
        pltpu.sync_copy(d1_hbm.at[pl.ds(t0, SUB)], d1buf)
        pltpu.sync_copy(x_hbm.at[pl.ds(t0, SUB)], xbuf)
        cp0 = pltpu.async_copy(xbuf, xs_hbm.at[d0buf], sem0)
        cp1 = pltpu.async_copy(xbuf, xs_hbm.at[d1buf], sem1)
        cp0.wait()
        cp1.wait()


def _p2(x, d0v, d1v):
    f = pl.kernel(
        _p2_kernel,
        mesh=_sc_mesh(),
        out_type=jax.ShapeDtypeStruct((NRP, D), jnp.float32),
        scratch_types=[
            pltpu.VMEM((SUB, D), jnp.float32),
            pltpu.VMEM((SUB,), jnp.int32),
            pltpu.VMEM((SUB,), jnp.int32),
            pltpu.SemaphoreType.DMA,
            pltpu.SemaphoreType.DMA,
        ],
    )
    return f(x, d0v, d1v)



NSH_STEPS = 8
SH_TB = T // 4


def _p3_body(bexp_ref, xs_ref, x_ref, w13_ref, w2_ref, sw13g_ref, sw13u_ref,
             sw2_ref, ys_ref, osh_ref):
    s = pl.program_id(0)

    @pl.when(s < NB)
    def _routed():
        xs = xs_ref[...]
        gu = jnp.dot(xs, w13_ref[0], preferred_element_type=jnp.float32)
        g = gu[:, :FF]
        u = gu[:, FF:]
        h = jax.nn.silu(g) * u
        ys_ref[...] = jnp.dot(h, w2_ref[0], preferred_element_type=jnp.float32)

    @pl.when(s >= NB)
    def _shared():
        hf = (s - NB) % 2
        xb = x_ref[...]
        g = jnp.dot(xb, sw13g_ref[...], preferred_element_type=jnp.float32)
        u = jnp.dot(xb, sw13u_ref[...], preferred_element_type=jnp.float32)
        h = jax.nn.silu(g) * u
        y = jnp.dot(h, sw2_ref[...], preferred_element_type=jnp.float32)

        @pl.when(hf == 0)
        def _():
            osh_ref[...] = y

        @pl.when(hf == 1)
        def _():
            osh_ref[...] += y


def _p3(bexp, xs, x, w13, w2, shared_w13, shared_w2):
    grid = (NB + NSH_STEPS,)
    return pl.pallas_call(
        _p3_body,
        grid_spec=pltpu.PrefetchScalarGridSpec(
            num_scalar_prefetch=1,
            grid=grid,
            in_specs=[
                pl.BlockSpec((BM, D), lambda s, b: (jnp.minimum(s, NB - 1), 0)),
                pl.BlockSpec((SH_TB, D),
                             lambda s, b: (jnp.clip(s - NB, 0, 7) // 2, 0)),
                pl.BlockSpec((1, D, 2 * FF),
                             lambda s, b: (b[jnp.minimum(s, NB - 1)], 0, 0)),
                pl.BlockSpec((1, FF, D),
                             lambda s, b: (b[jnp.minimum(s, NB - 1)], 0, 0)),
                pl.BlockSpec((D, FF),
                             lambda s, b: (0, jnp.clip(s - NB, 0, 7) % 2)),
                pl.BlockSpec((D, FF),
                             lambda s, b: (0, 2 + jnp.clip(s - NB, 0, 7) % 2)),
                pl.BlockSpec((FF, D),
                             lambda s, b: (jnp.clip(s - NB, 0, 7) % 2, 0)),
            ],
            out_specs=[
                pl.BlockSpec((BM, D), lambda s, b: (jnp.minimum(s, NB - 1), 0)),
                pl.BlockSpec((SH_TB, D),
                             lambda s, b: (jnp.clip(s - NB, 0, 7) // 2, 0)),
            ],
            scratch_shapes=[],
        ),
        out_shape=[
            jax.ShapeDtypeStruct((NRP, D), jnp.float32),
            jax.ShapeDtypeStruct((T, D), jnp.float32),
        ],
        compiler_params=pltpu.CompilerParams(
            vmem_limit_bytes=100 * 1024 * 1024),
    )(bexp, xs, x, w13, w2, shared_w13, shared_w13, shared_w2)




def _p4_kernel(ys_hbm, d0_hbm, d1_hbm, g0_hbm, g1_hbm,
               g0buf, g1buf, d0buf, d1buf, sem0, sem1):
    wid = lax.axis_index("s") * 2 + lax.axis_index("c")
    for j in range(TPW // SUB):
        t0 = wid * TPW + j * SUB
        pltpu.sync_copy(d0_hbm.at[pl.ds(t0, SUB)], d0buf)
        pltpu.sync_copy(d1_hbm.at[pl.ds(t0, SUB)], d1buf)
        cp0 = pltpu.async_copy(ys_hbm.at[d0buf], g0buf, sem0)
        cp1 = pltpu.async_copy(ys_hbm.at[d1buf], g1buf, sem1)
        cp0.wait()
        cp1.wait()
        pltpu.sync_copy(g0buf, g0_hbm.at[pl.ds(t0, SUB)])
        pltpu.sync_copy(g1buf, g1_hbm.at[pl.ds(t0, SUB)])


def _p4(ys, d0v, d1v):
    f = pl.kernel(
        _p4_kernel,
        mesh=_sc_mesh(),
        out_type=[
            jax.ShapeDtypeStruct((T, D), jnp.float32),
            jax.ShapeDtypeStruct((T, D), jnp.float32),
        ],
        scratch_types=[
            pltpu.VMEM((SUB, D), jnp.float32),
            pltpu.VMEM((SUB, D), jnp.float32),
            pltpu.VMEM((SUB,), jnp.int32),
            pltpu.VMEM((SUB,), jnp.int32),
            pltpu.SemaphoreType.DMA,
            pltpu.SemaphoreType.DMA,
        ],
    )
    return f(ys, d0v, d1v)




def _p5_body(g0_ref, g1_ref, cwrep_ref, osh_ref, out_ref):
    cw0 = cwrep_ref[:, 0:1]
    cw1 = cwrep_ref[:, 16:17]
    out_ref[...] = (osh_ref[...] + cw0 * g0_ref[...] + cw1 * g1_ref[...])


def _p5(g0, g1, cwrep, osh):
    nblk = 4
    tb = T // nblk
    return pl.pallas_call(
        _p5_body,
        grid=(nblk,),
        in_specs=[
            pl.BlockSpec((tb, D), lambda s: (s, 0)),
            pl.BlockSpec((tb, D), lambda s: (s, 0)),
            pl.BlockSpec((tb, 128), lambda s: (s, 0)),
            pl.BlockSpec((tb, D), lambda s: (s, 0)),
        ],
        out_specs=pl.BlockSpec((tb, D), lambda s: (s, 0)),
        out_shape=jax.ShapeDtypeStruct((T, D), jnp.float32),
        compiler_params=pltpu.CompilerParams(
            vmem_limit_bytes=100 * 1024 * 1024),
    )(g0, g1, cwrep, osh)




@jax.jit
def kernel(hidden_states, gate_w, e_score_correction_bias, w13, w2,
           shared_w13, shared_w2):
    bias2d = e_score_correction_bias.reshape(1, E)
    dest, cwrep, bexp_pad = _p1(hidden_states, gate_w, bias2d)
    bexp = bexp_pad[0, :NB]
    d0v = dest[:, 0]
    d1v = dest[:, 1]
    xs = _p2(hidden_states, d0v, d1v)
    ys, osh = _p3(bexp, xs, hidden_states, w13, w2, shared_w13, shared_w2)
    g0, g1 = _p4(ys, d0v, d1v)
    return _p5(g0, g1, cwrep, osh)

# --- scband reference (transcript-rebuilt; emitter-appended) ---
"""Pipeline reference for scband-deepseek-mo-e-45183055954090 (READ-ONLY COPY).

The authoritative reference and input builder live on the scoring server;
editing this copy changes nothing except your own understanding.
"""

import jax, jax.numpy as jnp
import numpy as np

T = 2048      # tokens (batch=1 * seq_len=2048)
D = 1024      # hidden_size
E = 8         # n_routed_experts
K = 2         # num_experts_per_tok
FF = 512      # moe_intermediate_size
NSH = 2       # n_shared_experts
RSF = 2.5     # routed_scaling_factor


def setup_inputs(seed: int = 0) -> dict:
    key = jax.random.key(seed)
    ks = jax.random.split(key, 8)
    hidden_states = jax.random.normal(ks[0], (T, D), dtype=jnp.float32)
    gate_w = jax.random.normal(ks[1], (D, E), dtype=jnp.float32) * 0.02
    e_score_correction_bias = jax.random.normal(ks[2], (E,), dtype=jnp.float32) * 0.01
    w13 = jax.random.normal(ks[3], (E, D, 2 * FF), dtype=jnp.float32) * 0.02
    w2 = jax.random.normal(ks[4], (E, FF, D), dtype=jnp.float32) * 0.02
    shared_w13 = jax.random.normal(ks[5], (D, 2 * FF * NSH), dtype=jnp.float32) * 0.02
    shared_w2 = jax.random.normal(ks[6], (FF * NSH, D), dtype=jnp.float32) * 0.02
    return {
        'hidden_states': hidden_states,
        'gate_w': gate_w,
        'e_score_correction_bias': e_score_correction_bias,
        'w13': w13,
        'w2': w2,
        'shared_w13': shared_w13,
        'shared_w2': shared_w2,
    }


def reference(hidden_states, gate_w, e_score_correction_bias, w13, w2, shared_w13, shared_w2):
    x = hidden_states
    # --- gate (ReplicatedLinear, fp32) ---
    router_logits = x.astype(jnp.float32) @ gate_w            # [T, E]
    # noaux_tc routing: sigmoid scores, bias only affects expert selection
    scores = jax.nn.sigmoid(router_logits)                    # [T, E]
    scores_for_choice = scores + e_score_correction_bias[None, :]
    _, topk_idx = jax.lax.top_k(scores_for_choice, K)         # [T, K]
    topk_w = jnp.take_along_axis(scores, topk_idx, axis=1)    # [T, K]
    topk_w = topk_w / (jnp.sum(topk_w, axis=1, keepdims=True) + 1e-20) * RSF
    # build dense combine weights (dispatch/combine of deepep, dense emulation)
    rows = jnp.arange(T)[:, None]
    combine = jnp.zeros((T, E), dtype=jnp.float32).at[rows, topk_idx].add(topk_w)  # [T, E]
    # --- routed experts: SiluAndMul MLP per expert ---
    gu = jnp.einsum('td,edf->etf', x, w13)                    # [E, T, 2*FF]
    g, u = jnp.split(gu, 2, axis=-1)
    h = jax.nn.silu(g) * u                                    # [E, T, FF]
    y = jnp.einsum('etf,efd->etd', h, w2)                     # [E, T, D]
    routed_out = jnp.einsum('te,etd->td', combine, y)         # [T, D]
    # --- shared experts (ReplicatedDeepseekMLP, intermediate = FF * n_shared) ---
    sgu = x @ shared_w13                                      # [T, 2*FF*NSH]
    sg, su = jnp.split(sgu, 2, axis=-1)
    shared_out = (jax.nn.silu(sg) * su) @ shared_w2           # [T, D]
    return routed_out + shared_out

if __name__ == "__main__":
    import jax
    _d = setup_inputs()
    print(jax.jit(kernel)(*tuple(_d.values())))

</pallas_src>

<mosaic_0001>
#map = affine_map<(d0, d1) -> (0, 0)>
#map1 = affine_map<(d0, d1) -> (0)>
module attributes {stable_mosaic.version = 14 : i64} {
  func.func @_p4_kernel(%arg0: i32, %arg1: i32, %arg2: memref<8192x1024xf32, #tpu.memory_space<hbm>>, %arg3: memref<2048xi32, #tpu.memory_space<hbm>>, %arg4: memref<2048xi32, #tpu.memory_space<hbm>>, %arg5: memref<2048x1024xf32, #tpu.memory_space<hbm>>, %arg6: memref<2048x1024xf32, #tpu.memory_space<hbm>>, %arg7: memref<16x1024xf32, #tpu.memory_space<vmem>>, %arg8: memref<16x1024xf32, #tpu.memory_space<vmem>>, %arg9: memref<16xi32, #tpu.memory_space<vmem>>, %arg10: memref<16xi32, #tpu.memory_space<vmem>>, %arg11: memref<!tpu.dma_semaphore, #tpu.memory_space<semaphore_mem>>, %arg12: memref<!tpu.dma_semaphore, #tpu.memory_space<semaphore_mem>>) attributes {dimension_semantics = [#tpu.dimension_semantics<core_parallel>, #tpu.dimension_semantics<subcore_parallel>], iteration_bounds = array<i64: 2, 16>, scalar_prefetch = 0 : i64, scratch_operands = 6 : i64, tpu.core_type = #tpu.core_type<sc_vector_subcore>, window_params = [{transform_indices = #map}, {transform_indices = #map1}, {transform_indices = #map1}, {transform_indices = #map}, {transform_indices = #map}]} {
    %mul3A = arith.constant 2 : i32
    %mul3A_0 = arith.muli %arg1, %mul3A : i32
    %add3A = arith.addi %mul3A_0, %arg0 : i32
    %mul3A_1 = arith.constant 64 : i32
    %mul3A_2 = arith.muli %add3A, %mul3A_1 : i32
    %add3A_3 = arith.constant 0 : i32
    %add3A_4 = arith.addi %mul3A_2, %add3A_3 : i32
    "tpu.region"() ({
      %run_scoped3A = tpu.sem_alloc : memref<!tpu.dma_semaphore, #tpu.memory_space<semaphore_mem>>
      %dma_start3A_63 = tpu.memref_slice %arg3[%add3A_4] : memref<2048xi32, #tpu.memory_space<hbm>> -> memref<16xi32, #tpu.memory_space<hbm>>
      %dma_start3A_64 = tpu.memref_slice %arg3[%add3A_4] : memref<2048xi32, #tpu.memory_space<hbm>> -> memref<16xi32, #tpu.memory_space<hbm>>
      tpu.enqueue_dma source(%dma_start3A_64 : memref<16xi32, #tpu.memory_space<hbm>>) target(%arg9 : memref<16xi32, #tpu.memory_space<vmem>>) target_semaphore(%run_scoped3A : memref<!tpu.dma_semaphore, #tpu.memory_space<semaphore_mem>>)
      %dma_wait3A_65 = tpu.memref_slice %arg3[%add3A_4] : memref<2048xi32, #tpu.memory_space<hbm>> -> memref<16xi32, #tpu.memory_space<hbm>>
      %dma_wait3A_66 = tpu.memref_slice %arg3[%add3A_4] : memref<2048xi32, #tpu.memory_space<hbm>> -> memref<16xi32, #tpu.memory_space<hbm>>
      tpu.wait_dma2 semaphore(%run_scoped3A : memref<!tpu.dma_semaphore, #tpu.memory_space<semaphore_mem>>) src(%dma_wait3A_66 : memref<16xi32, #tpu.memory_space<hbm>>) dst(%arg9 : memref<16xi32, #tpu.memory_space<vmem>>)
      tpu.yield
    }) : () -> ()
    "tpu.region"() ({
      %run_scoped3A = tpu.sem_alloc : memref<!tpu.dma_semaphore, #tpu.memory_space<semaphore_mem>>
      %dma_start3A_63 = tpu.memref_slice %arg4[%add3A_4] : memref<2048xi32, #tpu.memory_space<hbm>> -> memref<16xi32, #tpu.memory_space<hbm>>
      %dma_start3A_64 = tpu.memref_slice %arg4[%add3A_4] : memref<2048xi32, #tpu.memory_space<hbm>> -> memref<16xi32, #tpu.memory_space<hbm>>
      tpu.enqueue_dma source(%dma_start3A_64 : memref<16xi32, #tpu.memory_space<hbm>>) target(%arg10 : memref<16xi32, #tpu.memory_space<vmem>>) target_semaphore(%run_scoped3A : memref<!tpu.dma_semaphore, #tpu.memory_space<semaphore_mem>>)
      %dma_wait3A_65 = tpu.memref_slice %arg4[%add3A_4] : memref<2048xi32, #tpu.memory_space<hbm>> -> memref<16xi32, #tpu.memory_space<hbm>>
      %dma_wait3A_66 = tpu.memref_slice %arg4[%add3A_4] : memref<2048xi32, #tpu.memory_space<hbm>> -> memref<16xi32, #tpu.memory_space<hbm>>
      tpu.wait_dma2 semaphore(%run_scoped3A : memref<!tpu.dma_semaphore, #tpu.memory_space<semaphore_mem>>) src(%dma_wait3A_66 : memref<16xi32, #tpu.memory_space<hbm>>) dst(%arg10 : memref<16xi32, #tpu.memory_space<vmem>>)
      tpu.yield
    }) : () -> ()
    %dma_start3A = arith.constant 0 : i32
    %dma_start3A_5 = arith.constant 0 : i32
    %dma_start3A_6 = tpu.memref_slice %arg2[%dma_start3A, %dma_start3A_5] : memref<8192x1024xf32, #tpu.memory_space<hbm>> -> memref<8192x1024xf32, #tpu.memory_space<hbm>>
    tpu.enqueue_indirect_dma source(%dma_start3A_6 : memref<8192x1024xf32, #tpu.memory_space<hbm>>) target(%arg7 : memref<16x1024xf32, #tpu.memory_space<vmem>>) offsets(%arg9 : memref<16xi32, #tpu.memory_space<vmem>>) semaphore(%arg11 : memref<!tpu.dma_semaphore, #tpu.memory_space<semaphore_mem>>)
    %dma_start3A_7 = arith.constant 0 : i32
    %dma_start3A_8 = arith.constant 0 : i32
    %dma_start3A_9 = tpu.memref_slice %arg2[%dma_start3A_7, %dma_start3A_8] : memref<8192x1024xf32, #tpu.memory_space<hbm>> -> memref<8192x1024xf32, #tpu.memory_space<hbm>>
    tpu.enqueue_indirect_dma source(%dma_start3A_9 : memref<8192x1024xf32, #tpu.memory_space<hbm>>) target(%arg8 : memref<16x1024xf32, #tpu.memory_space<vmem>>) offsets(%arg10 : memref<16xi32, #tpu.memory_space<vmem>>) semaphore(%arg12 : memref<!tpu.dma_semaphore, #tpu.memory_space<semaphore_mem>>)
    %dma_wait3A = arith.constant 0 : i32
    %dma_wait3A_10 = arith.constant 0 : i32
    %dma_wait3A_11 = tpu.memref_slice %arg2[%dma_wait3A, %dma_wait3A_10] : memref<8192x1024xf32, #tpu.memory_space<hbm>> -> memref<8192x1024xf32, #tpu.memory_space<hbm>>
    tpu.wait_indirect_dma semaphore(%arg11 : memref<!tpu.dma_semaphore, #tpu.memory_space<semaphore_mem>>) src(%dma_wait3A_11 : memref<8192x1024xf32, #tpu.memory_space<hbm>>) dst(%arg7 : memref<16x1024xf32, #tpu.memory_space<vmem>>)
    %dma_wait3A_12 = arith.constant 0 : i32
    %dma_wait3A_13 = arith.constant 0 : i32
    %dma_wait3A_14 = tpu.memref_slice %arg2[%dma_wait3A_12, %dma_wait3A_13] : memref<8192x1024xf32, #tpu.memory_space<hbm>> -> memref<8192x1024xf32, #tpu.memory_space<hbm>>
    tpu.wait_indirect_dma semaphore(%arg12 : memref<!tpu.dma_semaphore, #tpu.memory_space<semaphore_mem>>) src(%dma_wait3A_14 : memref<8192x1024xf32, #tpu.memory_space<hbm>>) dst(%arg8 : memref<16x1024xf32, #tpu.memory_space<vmem>>)
    "tpu.region"() ({
      %run_scoped3A = tpu.sem_alloc : memref<!tpu.dma_semaphore, #tpu.memory_space<semaphore_mem>>
      %dma_start3A_63 = arith.constant 0 : i32
      %dma_start3A_64 = tpu.memref_slice %arg5[%add3A_4, %dma_start3A_63] : memref<2048x1024xf32, #tpu.memory_space<hbm>> -> memref<16x1024xf32, #tpu.memory_space<hbm>>
      %dma_start3A_65 = arith.constant 0 : i32
      %dma_start3A_66 = tpu.memref_slice %arg5[%add3A_4, %dma_start3A_65] : memref<2048x1024xf32, #tpu.memory_space<hbm>> -> memref<16x1024xf32, #tpu.memory_space<hbm>>
      tpu.enqueue_dma source(%arg7 : memref<16x1024xf32, #tpu.memory_space<vmem>>) target(%dma_start3A_66 : memref<16x1024xf32, #tpu.memory_space<hbm>>) target_semaphore(%run_scoped3A : memref<!tpu.dma_semaphore, #tpu.memory_space<semaphore_mem>>)
      %dma_wait3A_67 = arith.constant 0 : i32
      %dma_wait3A_68 = tpu.memref_slice %arg5[%add3A_4, %dma_wait3A_67] : memref<2048x1024xf32, #tpu.memory_space<hbm>> -> memref<16x1024xf32, #tpu.memory_space<hbm>>
      %dma_wait3A_69 = arith.constant 0 : i32
      %dma_wait3A_70 = tpu.memref_slice %arg5[%add3A_4, %dma_wait3A_69] : memref<2048x1024xf32, #tpu.memory_space<hbm>> -> memref<16x1024xf32, #tpu.memory_space<hbm>>
      tpu.wait_dma2 semaphore(%run_scoped3A : memref<!tpu.dma_semaphore, #tpu.memory_space<semaphore_mem>>) src(%arg7 : memref<16x1024xf32, #tpu.memory_space<vmem>>) dst(%dma_wait3A_70 : memref<16x1024xf32, #tpu.memory_space<hbm>>)
      tpu.yield
    }) : () -> ()
    "tpu.region"() ({
      %run_scoped3A = tpu.sem_alloc : memref<!tpu.dma_semaphore, #tpu.memory_space<semaphore_mem>>
      %dma_start3A_63 = arith.constant 0 : i32
      %dma_start3A_64 = tpu.memref_slice %arg6[%add3A_4, %dma_start3A_63] : memref<2048x1024xf32, #tpu.memory_space<hbm>> -> memref<16x1024xf32, #tpu.memory_space<hbm>>
      %dma_start3A_65 = arith.constant 0 : i32
      %dma_start3A_66 = tpu.memref_slice %arg6[%add3A_4, %dma_start3A_65] : memref<2048x1024xf32, #tpu.memory_space<hbm>> -> memref<16x1024xf32, #tpu.memory_space<hbm>>
      tpu.enqueue_dma source(%arg8 : memref<16x1024xf32, #tpu.memory_space<vmem>>) target(%dma_start3A_66 : memref<16x1024xf32, #tpu.memory_space<hbm>>) target_semaphore(%run_scoped3A : memref<!tpu.dma_semaphore, #tpu.memory_space<semaphore_mem>>)
      %dma_wait3A_67 = arith.constant 0 : i32
      %dma_wait3A_68 = tpu.memref_slice %arg6[%add3A_4, %dma_wait3A_67] : memref<2048x1024xf32, #tpu.memory_space<hbm>> -> memref<16x1024xf32, #tpu.memory_space<hbm>>
      %dma_wait3A_69 = arith.constant 0 : i32
      %dma_wait3A_70 = tpu.memref_slice %arg6[%add3A_4, %dma_wait3A_69] : memref<2048x1024xf32, #tpu.memory_space<hbm>> -> memref<16x1024xf32, #tpu.memory_space<hbm>>
      tpu.wait_dma2 semaphore(%run_scoped3A : memref<!tpu.dma_semaphore, #tpu.memory_space<semaphore_mem>>) src(%arg8 : memref<16x1024xf32, #tpu.memory_space<vmem>>) dst(%dma_wait3A_70 : memref<16x1024xf32, #tpu.memory_space<hbm>>)
      tpu.yield
    }) : () -> ()
    %mul3A_15 = arith.constant 64 : i32
    %mul3A_16 = arith.muli %add3A, %mul3A_15 : i32
    %add3A_17 = arith.constant 16 : i32
    %add3A_18 = arith.addi %mul3A_16, %add3A_17 : i32
    "tpu.region"() ({
      %run_scoped3A = tpu.sem_alloc : memref<!tpu.dma_semaphore, #tpu.memory_space<semaphore_mem>>
      %dma_start3A_63 = tpu.memref_slice %arg3[%add3A_18] : memref<2048xi32, #tpu.memory_space<hbm>> -> memref<16xi32, #tpu.memory_space<hbm>>
      %dma_start3A_64 = tpu.memref_slice %arg3[%add3A_18] : memref<2048xi32, #tpu.memory_space<hbm>> -> memref<16xi32, #tpu.memory_space<hbm>>
      tpu.enqueue_dma source(%dma_start3A_64 : memref<16xi32, #tpu.memory_space<hbm>>) target(%arg9 : memref<16xi32, #tpu.memory_space<vmem>>) target_semaphore(%run_scoped3A : memref<!tpu.dma_semaphore, #tpu.memory_space<semaphore_mem>>)
      %dma_wait3A_65 = tpu.memref_slice %arg3[%add3A_18] : memref<2048xi32, #tpu.memory_space<hbm>> -> memref<16xi32, #tpu.memory_space<hbm>>
      %dma_wait3A_66 = tpu.memref_slice %arg3[%add3A_18] : memref<2048xi32, #tpu.memory_space<hbm>> -> memref<16xi32, #tpu.memory_space<hbm>>
      tpu.wait_dma2 semaphore(%run_scoped3A : memref<!tpu.dma_semaphore, #tpu.memory_space<semaphore_mem>>) src(%dma_wait3A_66 : memref<16xi32, #tpu.memory_space<hbm>>) dst(%arg9 : memref<16xi32, #tpu.memory_space<vmem>>)
      tpu.yield
    }) : () -> ()
    "tpu.region"() ({
      %run_scoped3A = tpu.sem_alloc : memref<!tpu.dma_semaphore, #tpu.memory_space<semaphore_mem>>
      %dma_start3A_63 = tpu.memref_slice %arg4[%add3A_18] : memref<2048xi32, #tpu.memory_space<hbm>> -> memref<16xi32, #tpu.memory_space<hbm>>
      %dma_start3A_64 = tpu.memref_slice %arg4[%add3A_18] : memref<2048xi32, #tpu.memory_space<hbm>> -> memref<16xi32, #tpu.memory_space<hbm>>
      tpu.enqueue_dma source(%dma_start3A_64 : memref<16xi32, #tpu.memory_space<hbm>>) target(%arg10 : memref<16xi32, #tpu.memory_space<vmem>>) target_semaphore(%run_scoped3A : memref<!tpu.dma_semaphore, #tpu.memory_space<semaphore_mem>>)
      %dma_wait3A_65 = tpu.memref_slice %arg4[%add3A_18] : memref<2048xi32, #tpu.memory_space<hbm>> -> memref<16xi32, #tpu.memory_space<hbm>>
      %dma_wait3A_66 = tpu.memref_slice %arg4[%add3A_18] : memref<2048xi32, #tpu.memory_space<hbm>> -> memref<16xi32, #tpu.memory_space<hbm>>
      tpu.wait_dma2 semaphore(%run_scoped3A : memref<!tpu.dma_semaphore, #tpu.memory_space<semaphore_mem>>) src(%dma_wait3A_66 : memref<16xi32, #tpu.memory_space<hbm>>) dst(%arg10 : memref<16xi32, #tpu.memory_space<vmem>>)
      tpu.yield
    }) : () -> ()
    %dma_start3A_19 = arith.constant 0 : i32
    %dma_start3A_20 = arith.constant 0 : i32
    %dma_start3A_21 = tpu.memref_slice %arg2[%dma_start3A_19, %dma_start3A_20] : memref<8192x1024xf32, #tpu.memory_space<hbm>> -> memref<8192x1024xf32, #tpu.memory_space<hbm>>
    tpu.enqueue_indirect_dma source(%dma_start3A_21 : memref<8192x1024xf32, #tpu.memory_space<hbm>>) target(%arg7 : memref<16x1024xf32, #tpu.memory_space<vmem>>) offsets(%arg9 : memref<16xi32, #tpu.memory_space<vmem>>) semaphore(%arg11 : memref<!tpu.dma_semaphore, #tpu.memory_space<semaphore_mem>>)
    %dma_start3A_22 = arith.constant 0 : i32
    %dma_start3A_23 = arith.constant 0 : i32
    %dma_start3A_24 = tpu.memref_slice %arg2[%dma_start3A_22, %dma_start3A_23] : memref<8192x1024xf32, #tpu.memory_space<hbm>> -> memref<8192x1024xf32, #tpu.memory_space<hbm>>
    tpu.enqueue_indirect_dma source(%dma_start3A_24 : memref<8192x1024xf32, #tpu.memory_space<hbm>>) target(%arg8 : memref<16x1024xf32, #tpu.memory_space<vmem>>) offsets(%arg10 : memref<16xi32, #tpu.memory_space<vmem>>) semaphore(%arg12 : memref<!tpu.dma_semaphore, #tpu.memory_space<semaphore_mem>>)
    %dma_wait3A_25 = arith.constant 0 : i32
    %dma_wait3A_26 = arith.constant 0 : i32
    %dma_wait3A_27 = tpu.memref_slice %arg2[%dma_wait3A_25, %dma_wait3A_26] : memref<8192x1024xf32, #tpu.memory_space<hbm>> -> memref<8192x1024xf32, #tpu.memory_space<hbm>>
    tpu.wait_indirect_dma semaphore(%arg11 : memref<!tpu.dma_semaphore, #tpu.memory_space<semaphore_mem>>) src(%dma_wait3A_27 : memref<8192x1024xf32, #tpu.memory_space<hbm>>) dst(%arg7 : memref<16x1024xf32, #tpu.memory_space<vmem>>)
    %dma_wait3A_28 = arith.constant 0 : i32
    %dma_wait3A_29 = arith.constant 0 : i32
    %dma_wait3A_30 = tpu.memref_slice %arg2[%dma_wait3A_28, %dma_wait3A_29] : memref<8192x1024xf32, #tpu.memory_space<hbm>> -> memref<8192x1024xf32, #tpu.memory_space<hbm>>
    tpu.wait_indirect_dma semaphore(%arg12 : memref<!tpu.dma_semaphore, #tpu.memory_space<semaphore_mem>>) src(%dma_wait3A_30 : memref<8192x1024xf32, #tpu.memory_space<hbm>>) dst(%arg8 : memref<16x1024xf32, #tpu.memory_space<vmem>>)
    "tpu.region"() ({
      %run_scoped3A = tpu.sem_alloc : memref<!tpu.dma_semaphore, #tpu.memory_space<semaphore_mem>>
      %dma_start3A_63 = arith.constant 0 : i32
      %dma_start3A_64 = tpu.memref_slice %arg5[%add3A_18, %dma_start3A_63] : memref<2048x1024xf32, #tpu.memory_space<hbm>> -> memref<16x1024xf32, #tpu.memory_space<hbm>>
      %dma_start3A_65 = arith.constant 0 : i32
      %dma_start3A_66 = tpu.memref_slice %arg5[%add3A_18, %dma_start3A_65] : memref<2048x1024xf32, #tpu.memory_space<hbm>> -> memref<16x1024xf32, #tpu.memory_space<hbm>>
      tpu.enqueue_dma source(%arg7 : memref<16x1024xf32, #tpu.memory_space<vmem>>) target(%dma_start3A_66 : memref<16x1024xf32, #tpu.memory_space<hbm>>) target_semaphore(%run_scoped3A : memref<!tpu.dma_semaphore, #tpu.memory_space<semaphore_mem>>)
      %dma_wait3A_67 = arith.constant 0 : i32
      %dma_wait3A_68 = tpu.memref_slice %arg5[%add3A_18, %dma_wait3A_67] : memref<2048x1024xf32, #tpu.memory_space<hbm>> -> memref<16x1024xf32, #tpu.memory_space<hbm>>
      %dma_wait3A_69 = arith.constant 0 : i32
      %dma_wait3A_70 = tpu.memref_slice %arg5[%add3A_18, %dma_wait3A_69] : memref<2048x1024xf32, #tpu.memory_space<hbm>> -> memref<16x1024xf32, #tpu.memory_space<hbm>>
      tpu.wait_dma2 semaphore(%run_scoped3A : memref<!tpu.dma_semaphore, #tpu.memory_space<semaphore_mem>>) src(%arg7 : memref<16x1024xf32, #tpu.memory_space<vmem>>) dst(%dma_wait3A_70 : memref<16x1024xf32, #tpu.memory_space<hbm>>)
      tpu.yield
    }) : () -> ()
    "tpu.region"() ({
      %run_scoped3A = tpu.sem_alloc : memref<!tpu.dma_semaphore, #tpu.memory_space<semaphore_mem>>
      %dma_start3A_63 = arith.constant 0 : i32
      %dma_start3A_64 = tpu.memref_slice %arg6[%add3A_18, %dma_start3A_63] : memref<2048x1024xf32, #tpu.memory_space<hbm>> -> memref<16x1024xf32, #tpu.memory_space<hbm>>
      %dma_start3A_65 = arith.constant 0 : i32
      %dma_start3A_66 = tpu.memref_slice %arg6[%add3A_18, %dma_start3A_65] : memref<2048x1024xf32, #tpu.memory_space<hbm>> -> memref<16x1024xf32, #tpu.memory_space<hbm>>
      tpu.enqueue_dma source(%arg8 : memref<16x1024xf32, #tpu.memory_space<vmem>>) target(%dma_start3A_66 : memref<16x1024xf32, #tpu.memory_space<hbm>>) target_semaphore(%run_scoped3A : memref<!tpu.dma_semaphore, #tpu.memory_space<semaphore_mem>>)
      %dma_wait3A_67 = arith.constant 0 : i32
      %dma_wait3A_68 = tpu.memref_slice %arg6[%add3A_18, %dma_wait3A_67] : memref<2048x1024xf32, #tpu.memory_space<hbm>> -> memref<16x1024xf32, #tpu.memory_space<hbm>>
      %dma_wait3A_69 = arith.constant 0 : i32
      %dma_wait3A_70 = tpu.memref_slice %arg6[%add3A_18, %dma_wait3A_69] : memref<2048x1024xf32, #tpu.memory_space<hbm>> -> memref<16x1024xf32, #tpu.memory_space<hbm>>
      tpu.wait_dma2 semaphore(%run_scoped3A : memref<!tpu.dma_semaphore, #tpu.memory_space<semaphore_mem>>) src(%arg8 : memref<16x1024xf32, #tpu.memory_space<vmem>>) dst(%dma_wait3A_70 : memref<16x1024xf32, #tpu.memory_space<hbm>>)
      tpu.yield
    }) : () -> ()
    %mul3A_31 = arith.constant 64 : i32
    %mul3A_32 = arith.muli %add3A, %mul3A_31 : i32
    %add3A_33 = arith.constant 32 : i32
    %add3A_34 = arith.addi %mul3A_32, %add3A_33 : i32
    "tpu.region"() ({
      %run_scoped3A = tpu.sem_alloc : memref<!tpu.dma_semaphore, #tpu.memory_space<semaphore_mem>>
      %dma_start3A_63 = tpu.memref_slice %arg3[%add3A_34] : memref<2048xi32, #tpu.memory_space<hbm>> -> memref<16xi32, #tpu.memory_space<hbm>>
      %dma_start3A_64 = tpu.memref_slice %arg3[%add3A_34] : memref<2048xi32, #tpu.memory_space<hbm>> -> memref<16xi32, #tpu.memory_space<hbm>>
      tpu.enqueue_dma source(%dma_start3A_64 : memref<16xi32, #tpu.memory_space<hbm>>) target(%arg9 : memref<16xi32, #tpu.memory_space<vmem>>) target_semaphore(%run_scoped3A : memref<!tpu.dma_semaphore, #tpu.memory_space<semaphore_mem>>)
      %dma_wait3A_65 = tpu.memref_slice %arg3[%add3A_34] : memref<2048xi32, #tpu.memory_space<hbm>> -> memref<16xi32, #tpu.memory_space<hbm>>
      %dma_wait3A_66 = tpu.memref_slice %arg3[%add3A_34] : memref<2048xi32, #tpu.memory_space<hbm>> -> memref<16xi32, #tpu.memory_space<hbm>>
      tpu.wait_dma2 semaphore(%run_scoped3A : memref<!tpu.dma_semaphore, #tpu.memory_space<semaphore_mem>>) src(%dma_wait3A_66 : memref<16xi32, #tpu.memory_space<hbm>>) dst(%arg9 : memref<16xi32, #tpu.memory_space<vmem>>)
      tpu.yield
    }) : () -> ()
    "tpu.region"() ({
      %run_scoped3A = tpu.sem_alloc : memref<!tpu.dma_semaphore, #tpu.memory_space<semaphore_mem>>
      %dma_start3A_63 = tpu.memref_slice %arg4[%add3A_34] : memref<2048xi32, #tpu.memory_space<hbm>> -> memref<16xi32, #tpu.memory_space<hbm>>
      %dma_start3A_64 = tpu.memref_slice %arg4[%add3A_34] : memref<2048xi32, #tpu.memory_space<hbm>> -> memref<16xi32, #tpu.memory_space<hbm>>
      tpu.enqueue_dma source(%dma_start3A_64 : memref<16xi32, #tpu.memory_space<hbm>>) target(%arg10 : memref<16xi32, #tpu.memory_space<vmem>>) target_semaphore(%run_scoped3A : memref<!tpu.dma_semaphore, #tpu.memory_space<semaphore_mem>>)
      %dma_wait3A_65 = tpu.memref_slice %arg4[%add3A_34] : memref<2048xi32, #tpu.memory_space<hbm>> -> memref<16xi32, #tpu.memory_space<hbm>>
      %dma_wait3A_66 = tpu.memref_slice %arg4[%add3A_34] : memref<2048xi32, #tpu.memory_space<hbm>> -> memref<16xi32, #tpu.memory_space<hbm>>
      tpu.wait_dma2 semaphore(%run_scoped3A : memref<!tpu.dma_semaphore, #tpu.memory_space<semaphore_mem>>) src(%dma_wait3A_66 : memref<16xi32, #tpu.memory_space<hbm>>) dst(%arg10 : memref<16xi32, #tpu.memory_space<vmem>>)
      tpu.yield
    }) : () -> ()
    %dma_start3A_35 = arith.constant 0 : i32
    %dma_start3A_36 = arith.constant 0 : i32
    %dma_start3A_37 = tpu.memref_slice %arg2[%dma_start3A_35, %dma_start3A_36] : memref<8192x1024xf32, #tpu.memory_space<hbm>> -> memref<8192x1024xf32, #tpu.memory_space<hbm>>
    tpu.enqueue_indirect_dma source(%dma_start3A_37 : memref<8192x1024xf32, #tpu.memory_space<hbm>>) target(%arg7 : memref<16x1024xf32, #tpu.memory_space<vmem>>) offsets(%arg9 : memref<16xi32, #tpu.memory_space<vmem>>) semaphore(%arg11 : memref<!tpu.dma_semaphore, #tpu.memory_space<semaphore_mem>>)
    %dma_start3A_38 = arith.constant 0 : i32
    %dma_start3A_39 = arith.constant 0 : i32
    %dma_start3A_40 = tpu.memref_slice %arg2[%dma_start3A_38, %dma_start3A_39] : memref<8192x1024xf32, #tpu.memory_space<hbm>> -> memref<8192x1024xf32, #tpu.memory_space<hbm>>
    tpu.enqueue_indirect_dma source(%dma_start3A_40 : memref<8192x1024xf32, #tpu.memory_space<hbm>>) target(%arg8 : memref<16x1024xf32, #tpu.memory_space<vmem>>) offsets(%arg10 : memref<16xi32, #tpu.memory_space<vmem>>) semaphore(%arg12 : memref<!tpu.dma_semaphore, #tpu.memory_space<semaphore_mem>>)
    %dma_wait3A_41 = arith.constant 0 : i32
    %dma_wait3A_42 = arith.constant 0 : i32
    %dma_wait3A_43 = tpu.memref_slice %arg2[%dma_wait3A_41, %dma_wait3A_42] : memref<8192x1024xf32, #tpu.memory_space<hbm>> -> memref<8192x1024xf32, #tpu.memory_space<hbm>>
    tpu.wait_indirect_dma semaphore(%arg11 : memref<!tpu.dma_semaphore, #tpu.memory_space<semaphore_mem>>) src(%dma_wait3A_43 : memref<8192x1024xf32, #tpu.memory_space<hbm>>) dst(%arg7 : memref<16x1024xf32, #tpu.memory_space<vmem>>)
    %dma_wait3A_44 = arith.constant 0 : i32
    %dma_wait3A_45 = arith.constant 0 : i32
    %dma_wait3A_46 = tpu.memref_slice %arg2[%dma_wait3A_44, %dma_wait3A_45] : memref<8192x1024xf32, #tpu.memory_space<hbm>> -> memref<8192x1024xf32, #tpu.memory_space<hbm>>
    tpu.wait_indirect_dma semaphore(%arg12 : memref<!tpu.dma_semaphore, #tpu.memory_space<semaphore_mem>>) src(%dma_wait3A_46 : memref<8192x1024xf32, #tpu.memory_space<hbm>>) dst(%arg8 : memref<16x1024xf32, #tpu.memory_space<vmem>>)
    "tpu.region"() ({
      %run_scoped3A = tpu.sem_alloc : memref<!tpu.dma_semaphore, #tpu.memory_space<semaphore_mem>>
      %dma_start3A_63 = arith.constant 0 : i32
      %dma_start3A_64 = tpu.memref_slice %arg5[%add3A_34, %dma_start3A_63] : memref<2048x1024xf32, #tpu.memory_space<hbm>> -> memref<16x1024xf32, #tpu.memory_space<hbm>>
      %dma_start3A_65 = arith.constant 0 : i32
      %dma_start3A_66 = tpu.memref_slice %arg5[%add3A_34, %dma_start3A_65] : memref<2048x1024xf32, #tpu.memory_space<hbm>> -> memref<16x1024xf32, #tpu.memory_space<hbm>>
      tpu.enqueue_dma source(%arg7 : memref<16x1024xf32, #tpu.memory_space<vmem>>) target(%dma_start3A_66 : memref<16x1024xf32, #tpu.memory_space<hbm>>) target_semaphore(%run_scoped3A : memref<!tpu.dma_semaphore, #tpu.memory_space<semaphore_mem>>)
      %dma_wait3A_67 = arith.constant 0 : i32
      %dma_wait3A_68 = tpu.memref_slice %arg5[%add3A_34, %dma_wait3A_67] : memref<2048x1024xf32, #tpu.memory_space<hbm>> -> memref<16x1024xf32, #tpu.memory_space<hbm>>
      %dma_wait3A_69 = arith.constant 0 : i32
      %dma_wait3A_70 = tpu.memref_slice %arg5[%add3A_34, %dma_wait3A_69] : memref<2048x1024xf32, #tpu.memory_space<hbm>> -> memref<16x1024xf32, #tpu.memory_space<hbm>>
      tpu.wait_dma2 semaphore(%run_scoped3A : memref<!tpu.dma_semaphore, #tpu.memory_space<semaphore_mem>>) src(%arg7 : memref<16x1024xf32, #tpu.memory_space<vmem>>) dst(%dma_wait3A_70 : memref<16x1024xf32, #tpu.memory_space<hbm>>)
      tpu.yield
    }) : () -> ()
    "tpu.region"() ({
      %run_scoped3A = tpu.sem_alloc : memref<!tpu.dma_semaphore, #tpu.memory_space<semaphore_mem>>
      %dma_start3A_63 = arith.constant 0 : i32
      %dma_start3A_64 = tpu.memref_slice %arg6[%add3A_34, %dma_start3A_63] : memref<2048x1024xf32, #tpu.memory_space<hbm>> -> memref<16x1024xf32, #tpu.memory_space<hbm>>
      %dma_start3A_65 = arith.constant 0 : i32
      %dma_start3A_66 = tpu.memref_slice %arg6[%add3A_34, %dma_start3A_65] : memref<2048x1024xf32, #tpu.memory_space<hbm>> -> memref<16x1024xf32, #tpu.memory_space<hbm>>
      tpu.enqueue_dma source(%arg8 : memref<16x1024xf32, #tpu.memory_space<vmem>>) target(%dma_start3A_66 : memref<16x1024xf32, #tpu.memory_space<hbm>>) target_semaphore(%run_scoped3A : memref<!tpu.dma_semaphore, #tpu.memory_space<semaphore_mem>>)
      %dma_wait3A_67 = arith.constant 0 : i32
      %dma_wait3A_68 = tpu.memref_slice %arg6[%add3A_34, %dma_wait3A_67] : memref<2048x1024xf32, #tpu.memory_space<hbm>> -> memref<16x1024xf32, #tpu.memory_space<hbm>>
      %dma_wait3A_69 = arith.constant 0 : i32
      %dma_wait3A_70 = tpu.memref_slice %arg6[%add3A_34, %dma_wait3A_69] : memref<2048x1024xf32, #tpu.memory_space<hbm>> -> memref<16x1024xf32, #tpu.memory_space<hbm>>
      tpu.wait_dma2 semaphore(%run_scoped3A : memref<!tpu.dma_semaphore, #tpu.memory_space<semaphore_mem>>) src(%arg8 : memref<16x1024xf32, #tpu.memory_space<vmem>>) dst(%dma_wait3A_70 : memref<16x1024xf32, #tpu.memory_space<hbm>>)
      tpu.yield
    }) : () -> ()
    %mul3A_47 = arith.constant 64 : i32
    %mul3A_48 = arith.muli %add3A, %mul3A_47 : i32
    %add3A_49 = arith.constant 48 : i32
    %add3A_50 = arith.addi %mul3A_48, %add3A_49 : i32
    "tpu.region"() ({
      %run_scoped3A = tpu.sem_alloc : memref<!tpu.dma_semaphore, #tpu.memory_space<semaphore_mem>>
      %dma_start3A_63 = tpu.memref_slice %arg3[%add3A_50] : memref<2048xi32, #tpu.memory_space<hbm>> -> memref<16xi32, #tpu.memory_space<hbm>>
      %dma_start3A_64 = tpu.memref_slice %arg3[%add3A_50] : memref<2048xi32, #tpu.memory_space<hbm>> -> memref<16xi32, #tpu.memory_space<hbm>>
      tpu.enqueue_dma source(%dma_start3A_64 : memref<16xi32, #tpu.memory_space<hbm>>) target(%arg9 : memref<16xi32, #tpu.memory_space<vmem>>) target_semaphore(%run_scoped3A : memref<!tpu.dma_semaphore, #tpu.memory_space<semaphore_mem>>)
      %dma_wait3A_65 = tpu.memref_slice %arg3[%add3A_50] : memref<2048xi32, #tpu.memory_space<hbm>> -> memref<16xi32, #tpu.memory_space<hbm>>
      %dma_wait3A_66 = tpu.memref_slice %arg3[%add3A_50] : memref<2048xi32, #tpu.memory_space<hbm>> -> memref<16xi32, #tpu.memory_space<hbm>>
      tpu.wait_dma2 semaphore(%run_scoped3A : memref<!tpu.dma_semaphore, #tpu.memory_space<semaphore_mem>>) src(%dma_wait3A_66 : memref<16xi32, #tpu.memory_space<hbm>>) dst(%arg9 : memref<16xi32, #tpu.memory_space<vmem>>)
      tpu.yield
    }) : () -> ()
    "tpu.region"() ({
      %run_scoped3A = tpu.sem_alloc : memref<!tpu.dma_semaphore, #tpu.memory_space<semaphore_mem>>
      %dma_start3A_63 = tpu.memref_slice %arg4[%add3A_50] : memref<2048xi32, #tpu.memory_space<hbm>> -> memref<16xi32, #tpu.memory_space<hbm>>
      %dma_start3A_64 = tpu.memref_slice %arg4[%add3A_50] : memref<2048xi32, #tpu.memory_space<hbm>> -> memref<16xi32, #tpu.memory_space<hbm>>
      tpu.enqueue_dma source(%dma_start3A_64 : memref<16xi32, #tpu.memory_space<hbm>>) target(%arg10 : memref<16xi32, #tpu.memory_space<vmem>>) target_semaphore(%run_scoped3A : memref<!tpu.dma_semaphore, #tpu.memory_space<semaphore_mem>>)
      %dma_wait3A_65 = tpu.memref_slice %arg4[%add3A_50] : memref<2048xi32, #tpu.memory_space<hbm>> -> memref<16xi32, #tpu.memory_space<hbm>>
      %dma_wait3A_66 = tpu.memref_slice %arg4[%add3A_50] : memref<2048xi32, #tpu.memory_space<hbm>> -> memref<16xi32, #tpu.memory_space<hbm>>
      tpu.wait_dma2 semaphore(%run_scoped3A : memref<!tpu.dma_semaphore, #tpu.memory_space<semaphore_mem>>) src(%dma_wait3A_66 : memref<16xi32, #tpu.memory_space<hbm>>) dst(%arg10 : memref<16xi32, #tpu.memory_space<vmem>>)
      tpu.yield
    }) : () -> ()
    %dma_start3A_51 = arith.constant 0 : i32
    %dma_start3A_52 = arith.constant 0 : i32
    %dma_start3A_53 = tpu.memref_slice %arg2[%dma_start3A_51, %dma_start3A_52] : memref<8192x1024xf32, #tpu.memory_space<hbm>> -> memref<8192x1024xf32, #tpu.memory_space<hbm>>
    tpu.enqueue_indirect_dma source(%dma_start3A_53 : memref<8192x1024xf32, #tpu.memory_space<hbm>>) target(%arg7 : memref<16x1024xf32, #tpu.memory_space<vmem>>) offsets(%arg9 : memref<16xi32, #tpu.memory_space<vmem>>) semaphore(%arg11 : memref<!tpu.dma_semaphore, #tpu.memory_space<semaphore_mem>>)
    %dma_start3A_54 = arith.constant 0 : i32
    %dma_start3A_55 = arith.constant 0 : i32
    %dma_start3A_56 = tpu.memref_slice %arg2[%dma_start3A_54, %dma_start3A_55] : memref<8192x1024xf32, #tpu.memory_space<hbm>> -> memref<8192x1024xf32, #tpu.memory_space<hbm>>
    tpu.enqueue_indirect_dma source(%dma_start3A_56 : memref<8192x1024xf32, #tpu.memory_space<hbm>>) target(%arg8 : memref<16x1024xf32, #tpu.memory_space<vmem>>) offsets(%arg10 : memref<16xi32, #tpu.memory_space<vmem>>) semaphore(%arg12 : memref<!tpu.dma_semaphore, #tpu.memory_space<semaphore_mem>>)
    %dma_wait3A_57 = arith.constant 0 : i32
    %dma_wait3A_58 = arith.constant 0 : i32
    %dma_wait3A_59 = tpu.memref_slice %arg2[%dma_wait3A_57, %dma_wait3A_58] : memref<8192x1024xf32, #tpu.memory_space<hbm>> -> memref<8192x1024xf32, #tpu.memory_space<hbm>>
    tpu.wait_indirect_dma semaphore(%arg11 : memref<!tpu.dma_semaphore, #tpu.memory_space<semaphore_mem>>) src(%dma_wait3A_59 : memref<8192x1024xf32, #tpu.memory_space<hbm>>) dst(%arg7 : memref<16x1024xf32, #tpu.memory_space<vmem>>)
    %dma_wait3A_60 = arith.constant 0 : i32
    %dma_wait3A_61 = arith.constant 0 : i32
    %dma_wait3A_62 = tpu.memref_slice %arg2[%dma_wait3A_60, %dma_wait3A_61] : memref<8192x1024xf32, #tpu.memory_space<hbm>> -> memref<8192x1024xf32, #tpu.memory_space<hbm>>
    tpu.wait_indirect_dma semaphore(%arg12 : memref<!tpu.dma_semaphore, #tpu.memory_space<semaphore_mem>>) src(%dma_wait3A_62 : memref<8192x1024xf32, #tpu.memory_space<hbm>>) dst(%arg8 : memref<16x1024xf32, #tpu.memory_space<vmem>>)
    "tpu.region"() ({
      %run_scoped3A = tpu.sem_alloc : memref<!tpu.dma_semaphore, #tpu.memory_space<semaphore_mem>>
      %dma_start3A_63 = arith.constant 0 : i32
      %dma_start3A_64 = tpu.memref_slice %arg5[%add3A_50, %dma_start3A_63] : memref<2048x1024xf32, #tpu.memory_space<hbm>> -> memref<16x1024xf32, #tpu.memory_space<hbm>>
      %dma_start3A_65 = arith.constant 0 : i32
      %dma_start3A_66 = tpu.memref_slice %arg5[%add3A_50, %dma_start3A_65] : memref<2048x1024xf32, #tpu.memory_space<hbm>> -> memref<16x1024xf32, #tpu.memory_space<hbm>>
      tpu.enqueue_dma source(%arg7 : memref<16x1024xf32, #tpu.memory_space<vmem>>) target(%dma_start3A_66 : memref<16x1024xf32, #tpu.memory_space<hbm>>) target_semaphore(%run_scoped3A : memref<!tpu.dma_semaphore, #tpu.memory_space<semaphore_mem>>)
      %dma_wait3A_67 = arith.constant 0 : i32
      %dma_wait3A_68 = tpu.memref_slice %arg5[%add3A_50, %dma_wait3A_67] : memref<2048x1024xf32, #tpu.memory_space<hbm>> -> memref<16x1024xf32, #tpu.memory_space<hbm>>
      %dma_wait3A_69 = arith.constant 0 : i32
      %dma_wait3A_70 = tpu.memref_slice %arg5[%add3A_50, %dma_wait3A_69] : memref<2048x1024xf32, #tpu.memory_space<hbm>> -> memref<16x1024xf32, #tpu.memory_space<hbm>>
      tpu.wait_dma2 semaphore(%run_scoped3A : memref<!tpu.dma_semaphore, #tpu.memory_space<semaphore_mem>>) src(%arg7 : memref<16x1024xf32, #tpu.memory_space<vmem>>) dst(%dma_wait3A_70 : memref<16x1024xf32, #tpu.memory_space<hbm>>)
      tpu.yield
    }) : () -> ()
    "tpu.region"() ({
      %run_scoped3A = tpu.sem_alloc : memref<!tpu.dma_semaphore, #tpu.memory_space<semaphore_mem>>
      %dma_start3A_63 = arith.constant 0 : i32
      %dma_start3A_64 = tpu.memref_slice %arg6[%add3A_50, %dma_start3A_63] : memref<2048x1024xf32, #tpu.memory_space<hbm>> -> memref<16x1024xf32, #tpu.memory_space<hbm>>
      %dma_start3A_65 = arith.constant 0 : i32
      %dma_start3A_66 = tpu.memref_slice %arg6[%add3A_50, %dma_start3A_65] : memref<2048x1024xf32, #tpu.memory_space<hbm>> -> memref<16x1024xf32, #tpu.memory_space<hbm>>
      tpu.enqueue_dma source(%arg8 : memref<16x1024xf32, #tpu.memory_space<vmem>>) target(%dma_start3A_66 : memref<16x1024xf32, #tpu.memory_space<hbm>>) target_semaphore(%run_scoped3A : memref<!tpu.dma_semaphore, #tpu.memory_space<semaphore_mem>>)
      %dma_wait3A_67 = arith.constant 0 : i32
      %dma_wait3A_68 = tpu.memref_slice %arg6[%add3A_50, %dma_wait3A_67] : memref<2048x1024xf32, #tpu.memory_space<hbm>> -> memref<16x1024xf32, #tpu.memory_space<hbm>>
      %dma_wait3A_69 = arith.constant 0 : i32
      %dma_wait3A_70 = tpu.memref_slice %arg6[%add3A_50, %dma_wait3A_69] : memref<2048x1024xf32, #tpu.memory_space<hbm>> -> memref<16x1024xf32, #tpu.memory_space<hbm>>
      tpu.wait_dma2 semaphore(%run_scoped3A : memref<!tpu.dma_semaphore, #tpu.memory_space<semaphore_mem>>) src(%arg8 : memref<16x1024xf32, #tpu.memory_space<vmem>>) dst(%dma_wait3A_70 : memref<16x1024xf32, #tpu.memory_space<hbm>>)
      tpu.yield
    }) : () -> ()
    return
  }
}

#map = affine_map<(d0, d1) -> (0, 0)>
#map1 = affine_map<(d0, d1) -> (0)>
module attributes {stable_mosaic.version = 14 : i64} {
  func.func @_p2_kernel(%arg0: i32, %arg1: i32, %arg2: memref<2048x1024xf32, #tpu.memory_space<hbm>>, %arg3: memref<2048xi32, #tpu.memory_space<hbm>>, %arg4: memref<2048xi32, #tpu.memory_space<hbm>>, %arg5: memref<8192x1024xf32, #tpu.memory_space<hbm>>, %arg6: memref<16x1024xf32, #tpu.memory_space<vmem>>, %arg7: memref<16xi32, #tpu.memory_space<vmem>>, %arg8: memref<16xi32, #tpu.memory_space<vmem>>, %arg9: memref<!tpu.dma_semaphore, #tpu.memory_space<semaphore_mem>>, %arg10: memref<!tpu.dma_semaphore, #tpu.memory_space<semaphore_mem>>) attributes {dimension_semantics = [#tpu.dimension_semantics<core_parallel>, #tpu.dimension_semantics<subcore_parallel>], iteration_bounds = array<i64: 2, 16>, scalar_prefetch = 0 : i64, scratch_operands = 5 : i64, tpu.core_type = #tpu.core_type<sc_vector_subcore>, window_params = [{transform_indices = #map}, {transform_indices = #map1}, {transform_indices = #map1}, {transform_indices = #map}]} {
    %mul3A = arith.constant 2 : i32
    %mul3A_0 = arith.muli %arg1, %mul3A : i32
    %add3A = arith.addi %mul3A_0, %arg0 : i32
    %mul3A_1 = arith.constant 64 : i32
    %mul3A_2 = arith.muli %add3A, %mul3A_1 : i32
    %add3A_3 = arith.constant 0 : i32
    %add3A_4 = arith.addi %mul3A_2, %add3A_3 : i32
    "tpu.region"() ({
      %run_scoped3A = tpu.sem_alloc : memref<!tpu.dma_semaphore, #tpu.memory_space<semaphore_mem>>
      %dma_start3A_63 = tpu.memref_slice %arg3[%add3A_4] : memref<2048xi32, #tpu.memory_space<hbm>> -> memref<16xi32, #tpu.memory_space<hbm>>
      %dma_start3A_64 = tpu.memref_slice %arg3[%add3A_4] : memref<2048xi32, #tpu.memory_space<hbm>> -> memref<16xi32, #tpu.memory_space<hbm>>
      tpu.enqueue_dma source(%dma_start3A_64 : memref<16xi32, #tpu.memory_space<hbm>>) target(%arg7 : memref<16xi32, #tpu.memory_space<vmem>>) target_semaphore(%run_scoped3A : memref<!tpu.dma_semaphore, #tpu.memory_space<semaphore_mem>>)
      %dma_wait3A_65 = tpu.memref_slice %arg3[%add3A_4] : memref<2048xi32, #tpu.memory_space<hbm>> -> memref<16xi32, #tpu.memory_space<hbm>>
      %dma_wait3A_66 = tpu.memref_slice %arg3[%add3A_4] : memref<2048xi32, #tpu.memory_space<hbm>> -> memref<16xi32, #tpu.memory_space<hbm>>
      tpu.wait_dma2 semaphore(%run_scoped3A : memref<!tpu.dma_semaphore, #tpu.memory_space<semaphore_mem>>) src(%dma_wait3A_66 : memref<16xi32, #tpu.memory_space<hbm>>) dst(%arg7 : memref<16xi32, #tpu.memory_space<vmem>>)
      tpu.yield
    }) : () -> ()
    "tpu.region"() ({
      %run_scoped3A = tpu.sem_alloc : memref<!tpu.dma_semaphore, #tpu.memory_space<semaphore_mem>>
      %dma_start3A_63 = tpu.memref_slice %arg4[%add3A_4] : memref<2048xi32, #tpu.memory_space<hbm>> -> memref<16xi32, #tpu.memory_space<hbm>>
      %dma_start3A_64 = tpu.memref_slice %arg4[%add3A_4] : memref<2048xi32, #tpu.memory_space<hbm>> -> memref<16xi32, #tpu.memory_space<hbm>>
      tpu.enqueue_dma source(%dma_start3A_64 : memref<16xi32, #tpu.memory_space<hbm>>) target(%arg8 : memref<16xi32, #tpu.memory_space<vmem>>) target_semaphore(%run_scoped3A : memref<!tpu.dma_semaphore, #tpu.memory_space<semaphore_mem>>)
      %dma_wait3A_65 = tpu.memref_slice %arg4[%add3A_4] : memref<2048xi32, #tpu.memory_space<hbm>> -> memref<16xi32, #tpu.memory_space<hbm>>
      %dma_wait3A_66 = tpu.memref_slice %arg4[%add3A_4] : memref<2048xi32, #tpu.memory_space<hbm>> -> memref<16xi32, #tpu.memory_space<hbm>>
      tpu.wait_dma2 semaphore(%run_scoped3A : memref<!tpu.dma_semaphore, #tpu.memory_space<semaphore_mem>>) src(%dma_wait3A_66 : memref<16xi32, #tpu.memory_space<hbm>>) dst(%arg8 : memref<16xi32, #tpu.memory_space<vmem>>)
      tpu.yield
    }) : () -> ()
    "tpu.region"() ({
      %run_scoped3A = tpu.sem_alloc : memref<!tpu.dma_semaphore, #tpu.memory_space<semaphore_mem>>
      %dma_start3A_63 = arith.constant 0 : i32
      %dma_start3A_64 = tpu.memref_slice %arg2[%add3A_4, %dma_start3A_63] : memref<2048x1024xf32, #tpu.memory_space<hbm>> -> memref<16x1024xf32, #tpu.memory_space<hbm>>
      %dma_start3A_65 = arith.constant 0 : i32
      %dma_start3A_66 = tpu.memref_slice %arg2[%add3A_4, %dma_start3A_65] : memref<2048x1024xf32, #tpu.memory_space<hbm>> -> memref<16x1024xf32, #tpu.memory_space<hbm>>
      tpu.enqueue_dma source(%dma_start3A_66 : memref<16x1024xf32, #tpu.memory_space<hbm>>) target(%arg6 : memref<16x1024xf32, #tpu.memory_space<vmem>>) target_semaphore(%run_scoped3A : memref<!tpu.dma_semaphore, #tpu.memory_space<semaphore_mem>>)
      %dma_wait3A_67 = arith.constant 0 : i32
      %dma_wait3A_68 = tpu.memref_slice %arg2[%add3A_4, %dma_wait3A_67] : memref<2048x1024xf32, #tpu.memory_space<hbm>> -> memref<16x1024xf32, #tpu.memory_space<hbm>>
      %dma_wait3A_69 = arith.constant 0 : i32
      %dma_wait3A_70 = tpu.memref_slice %arg2[%add3A_4, %dma_wait3A_69] : memref<2048x1024xf32, #tpu.memory_space<hbm>> -> memref<16x1024xf32, #tpu.memory_space<hbm>>
      tpu.wait_dma2 semaphore(%run_scoped3A : memref<!tpu.dma_semaphore, #tpu.memory_space<semaphore_mem>>) src(%dma_wait3A_70 : memref<16x1024xf32, #tpu.memory_space<hbm>>) dst(%arg6 : memref<16x1024xf32, #tpu.memory_space<vmem>>)
      tpu.yield
    }) : () -> ()
    %dma_start3A = arith.constant 0 : i32
    %dma_start3A_5 = arith.constant 0 : i32
    %dma_start3A_6 = tpu.memref_slice %arg5[%dma_start3A, %dma_start3A_5] : memref<8192x1024xf32, #tpu.memory_space<hbm>> -> memref<8192x1024xf32, #tpu.memory_space<hbm>>
    tpu.enqueue_indirect_dma source(%arg6 : memref<16x1024xf32, #tpu.memory_space<vmem>>) target(%dma_start3A_6 : memref<8192x1024xf32, #tpu.memory_space<hbm>>) offsets(%arg7 : memref<16xi32, #tpu.memory_space<vmem>>) semaphore(%arg9 : memref<!tpu.dma_semaphore, #tpu.memory_space<semaphore_mem>>)
    %dma_start3A_7 = arith.constant 0 : i32
    %dma_start3A_8 = arith.constant 0 : i32
    %dma_start3A_9 = tpu.memref_slice %arg5[%dma_start3A_7, %dma_start3A_8] : memref<8192x1024xf32, #tpu.memory_space<hbm>> -> memref<8192x1024xf32, #tpu.memory_space<hbm>>
    tpu.enqueue_indirect_dma source(%arg6 : memref<16x1024xf32, #tpu.memory_space<vmem>>) target(%dma_start3A_9 : memref<8192x1024xf32, #tpu.memory_space<hbm>>) offsets(%arg8 : memref<16xi32, #tpu.memory_space<vmem>>) semaphore(%arg10 : memref<!tpu.dma_semaphore, #tpu.memory_space<semaphore_mem>>)
    %dma_wait3A = arith.constant 0 : i32
    %dma_wait3A_10 = arith.constant 0 : i32
    %dma_wait3A_11 = tpu.memref_slice %arg5[%dma_wait3A, %dma_wait3A_10] : memref<8192x1024xf32, #tpu.memory_space<hbm>> -> memref<8192x1024xf32, #tpu.memory_space<hbm>>
    tpu.wait_indirect_dma semaphore(%arg9 : memref<!tpu.dma_semaphore, #tpu.memory_space<semaphore_mem>>) src(%arg6 : memref<16x1024xf32, #tpu.memory_space<vmem>>) dst(%dma_wait3A_11 : memref<8192x1024xf32, #tpu.memory_space<hbm>>)
    %dma_wait3A_12 = arith.constant 0 : i32
    %dma_wait3A_13 = arith.constant 0 : i32
    %dma_wait3A_14 = tpu.memref_slice %arg5[%dma_wait3A_12, %dma_wait3A_13] : memref<8192x1024xf32, #tpu.memory_space<hbm>> -> memref<8192x1024xf32, #tpu.memory_space<hbm>>
    tpu.wait_indirect_dma semaphore(%arg10 : memref<!tpu.dma_semaphore, #tpu.memory_space<semaphore_mem>>) src(%arg6 : memref<16x1024xf32, #tpu.memory_space<vmem>>) dst(%dma_wait3A_14 : memref<8192x1024xf32, #tpu.memory_space<hbm>>)
    %mul3A_15 = arith.constant 64 : i32
    %mul3A_16 = arith.muli %add3A, %mul3A_15 : i32
    %add3A_17 = arith.constant 16 : i32
    %add3A_18 = arith.addi %mul3A_16, %add3A_17 : i32
    "tpu.region"() ({
      %run_scoped3A = tpu.sem_alloc : memref<!tpu.dma_semaphore, #tpu.memory_space<semaphore_mem>>
      %dma_start3A_63 = tpu.memref_slice %arg3[%add3A_18] : memref<2048xi32, #tpu.memory_space<hbm>> -> memref<16xi32, #tpu.memory_space<hbm>>
      %dma_start3A_64 = tpu.memref_slice %arg3[%add3A_18] : memref<2048xi32, #tpu.memory_space<hbm>> -> memref<16xi32, #tpu.memory_space<hbm>>
      tpu.enqueue_dma source(%dma_start3A_64 : memref<16xi32, #tpu.memory_space<hbm>>) target(%arg7 : memref<16xi32, #tpu.memory_space<vmem>>) target_semaphore(%run_scoped3A : memref<!tpu.dma_semaphore, #tpu.memory_space<semaphore_mem>>)
      %dma_wait3A_65 = tpu.memref_slice %arg3[%add3A_18] : memref<2048xi32, #tpu.memory_space<hbm>> -> memref<16xi32, #tpu.memory_space<hbm>>
      %dma_wait3A_66 = tpu.memref_slice %arg3[%add3A_18] : memref<2048xi32, #tpu.memory_space<hbm>> -> memref<16xi32, #tpu.memory_space<hbm>>
      tpu.wait_dma2 semaphore(%run_scoped3A : memref<!tpu.dma_semaphore, #tpu.memory_space<semaphore_mem>>) src(%dma_wait3A_66 : memref<16xi32, #tpu.memory_space<hbm>>) dst(%arg7 : memref<16xi32, #tpu.memory_space<vmem>>)
      tpu.yield
    }) : () -> ()
    "tpu.region"() ({
      %run_scoped3A = tpu.sem_alloc : memref<!tpu.dma_semaphore, #tpu.memory_space<semaphore_mem>>
      %dma_start3A_63 = tpu.memref_slice %arg4[%add3A_18] : memref<2048xi32, #tpu.memory_space<hbm>> -> memref<16xi32, #tpu.memory_space<hbm>>
      %dma_start3A_64 = tpu.memref_slice %arg4[%add3A_18] : memref<2048xi32, #tpu.memory_space<hbm>> -> memref<16xi32, #tpu.memory_space<hbm>>
      tpu.enqueue_dma source(%dma_start3A_64 : memref<16xi32, #tpu.memory_space<hbm>>) target(%arg8 : memref<16xi32, #tpu.memory_space<vmem>>) target_semaphore(%run_scoped3A : memref<!tpu.dma_semaphore, #tpu.memory_space<semaphore_mem>>)
      %dma_wait3A_65 = tpu.memref_slice %arg4[%add3A_18] : memref<2048xi32, #tpu.memory_space<hbm>> -> memref<16xi32, #tpu.memory_space<hbm>>
      %dma_wait3A_66 = tpu.memref_slice %arg4[%add3A_18] : memref<2048xi32, #tpu.memory_space<hbm>> -> memref<16xi32, #tpu.memory_space<hbm>>
      tpu.wait_dma2 semaphore(%run_scoped3A : memref<!tpu.dma_semaphore, #tpu.memory_space<semaphore_mem>>) src(%dma_wait3A_66 : memref<16xi32, #tpu.memory_space<hbm>>) dst(%arg8 : memref<16xi32, #tpu.memory_space<vmem>>)
      tpu.yield
    }) : () -> ()
    "tpu.region"() ({
      %run_scoped3A = tpu.sem_alloc : memref<!tpu.dma_semaphore, #tpu.memory_space<semaphore_mem>>
      %dma_start3A_63 = arith.constant 0 : i32
      %dma_start3A_64 = tpu.memref_slice %arg2[%add3A_18, %dma_start3A_63] : memref<2048x1024xf32, #tpu.memory_space<hbm>> -> memref<16x1024xf32, #tpu.memory_space<hbm>>
      %dma_start3A_65 = arith.constant 0 : i32
      %dma_start3A_66 = tpu.memref_slice %arg2[%add3A_18, %dma_start3A_65] : memref<2048x1024xf32, #tpu.memory_space<hbm>> -> memref<16x1024xf32, #tpu.memory_space<hbm>>
      tpu.enqueue_dma source(%dma_start3A_66 : memref<16x1024xf32, #tpu.memory_space<hbm>>) target(%arg6 : memref<16x1024xf32, #tpu.memory_space<vmem>>) target_semaphore(%run_scoped3A : memref<!tpu.dma_semaphore, #tpu.memory_space<semaphore_mem>>)
      %dma_wait3A_67 = arith.constant 0 : i32
      %dma_wait3A_68 = tpu.memref_slice %arg2[%add3A_18, %dma_wait3A_67] : memref<2048x1024xf32, #tpu.memory_space<hbm>> -> memref<16x1024xf32, #tpu.memory_space<hbm>>
      %dma_wait3A_69 = arith.constant 0 : i32
      %dma_wait3A_70 = tpu.memref_slice %arg2[%add3A_18, %dma_wait3A_69] : memref<2048x1024xf32, #tpu.memory_space<hbm>> -> memref<16x1024xf32, #tpu.memory_space<hbm>>
      tpu.wait_dma2 semaphore(%run_scoped3A : memref<!tpu.dma_semaphore, #tpu.memory_space<semaphore_mem>>) src(%dma_wait3A_70 : memref<16x1024xf32, #tpu.memory_space<hbm>>) dst(%arg6 : memref<16x1024xf32, #tpu.memory_space<vmem>>)
      tpu.yield
    }) : () -> ()
    %dma_start3A_19 = arith.constant 0 : i32
    %dma_start3A_20 = arith.constant 0 : i32
    %dma_start3A_21 = tpu.memref_slice %arg5[%dma_start3A_19, %dma_start3A_20] : memref<8192x1024xf32, #tpu.memory_space<hbm>> -> memref<8192x1024xf32, #tpu.memory_space<hbm>>
    tpu.enqueue_indirect_dma source(%arg6 : memref<16x1024xf32, #tpu.memory_space<vmem>>) target(%dma_start3A_21 : memref<8192x1024xf32, #tpu.memory_space<hbm>>) offsets(%arg7 : memref<16xi32, #tpu.memory_space<vmem>>) semaphore(%arg9 : memref<!tpu.dma_semaphore, #tpu.memory_space<semaphore_mem>>)
    %dma_start3A_22 = arith.constant 0 : i32
    %dma_start3A_23 = arith.constant 0 : i32
    %dma_start3A_24 = tpu.memref_slice %arg5[%dma_start3A_22, %dma_start3A_23] : memref<8192x1024xf32, #tpu.memory_space<hbm>> -> memref<8192x1024xf32, #tpu.memory_space<hbm>>
    tpu.enqueue_indirect_dma source(%arg6 : memref<16x1024xf32, #tpu.memory_space<vmem>>) target(%dma_start3A_24 : memref<8192x1024xf32, #tpu.memory_space<hbm>>) offsets(%arg8 : memref<16xi32, #tpu.memory_space<vmem>>) semaphore(%arg10 : memref<!tpu.dma_semaphore, #tpu.memory_space<semaphore_mem>>)
    %dma_wait3A_25 = arith.constant 0 : i32
    %dma_wait3A_26 = arith.constant 0 : i32
    %dma_wait3A_27 = tpu.memref_slice %arg5[%dma_wait3A_25, %dma_wait3A_26] : memref<8192x1024xf32, #tpu.memory_space<hbm>> -> memref<8192x1024xf32, #tpu.memory_space<hbm>>
    tpu.wait_indirect_dma semaphore(%arg9 : memref<!tpu.dma_semaphore, #tpu.memory_space<semaphore_mem>>) src(%arg6 : memref<16x1024xf32, #tpu.memory_space<vmem>>) dst(%dma_wait3A_27 : memref<8192x1024xf32, #tpu.memory_space<hbm>>)
    %dma_wait3A_28 = arith.constant 0 : i32
    %dma_wait3A_29 = arith.constant 0 : i32
    %dma_wait3A_30 = tpu.memref_slice %arg5[%dma_wait3A_28, %dma_wait3A_29] : memref<8192x1024xf32, #tpu.memory_space<hbm>> -> memref<8192x1024xf32, #tpu.memory_space<hbm>>
    tpu.wait_indirect_dma semaphore(%arg10 : memref<!tpu.dma_semaphore, #tpu.memory_space<semaphore_mem>>) src(%arg6 : memref<16x1024xf32, #tpu.memory_space<vmem>>) dst(%dma_wait3A_30 : memref<8192x1024xf32, #tpu.memory_space<hbm>>)
    %mul3A_31 = arith.constant 64 : i32
    %mul3A_32 = arith.muli %add3A, %mul3A_31 : i32
    %add3A_33 = arith.constant 32 : i32
    %add3A_34 = arith.addi %mul3A_32, %add3A_33 : i32
    "tpu.region"() ({
      %run_scoped3A = tpu.sem_alloc : memref<!tpu.dma_semaphore, #tpu.memory_space<semaphore_mem>>
      %dma_start3A_63 = tpu.memref_slice %arg3[%add3A_34] : memref<2048xi32, #tpu.memory_space<hbm>> -> memref<16xi32, #tpu.memory_space<hbm>>
      %dma_start3A_64 = tpu.memref_slice %arg3[%add3A_34] : memref<2048xi32, #tpu.memory_space<hbm>> -> memref<16xi32, #tpu.memory_space<hbm>>
      tpu.enqueue_dma source(%dma_start3A_64 : memref<16xi32, #tpu.memory_space<hbm>>) target(%arg7 : memref<16xi32, #tpu.memory_space<vmem>>) target_semaphore(%run_scoped3A : memref<!tpu.dma_semaphore, #tpu.memory_space<semaphore_mem>>)
      %dma_wait3A_65 = tpu.memref_slice %arg3[%add3A_34] : memref<2048xi32, #tpu.memory_space<hbm>> -> memref<16xi32, #tpu.memory_space<hbm>>
      %dma_wait3A_66 = tpu.memref_slice %arg3[%add3A_34] : memref<2048xi32, #tpu.memory_space<hbm>> -> memref<16xi32, #tpu.memory_space<hbm>>
      tpu.wait_dma2 semaphore(%run_scoped3A : memref<!tpu.dma_semaphore, #tpu.memory_space<semaphore_mem>>) src(%dma_wait3A_66 : memref<16xi32, #tpu.memory_space<hbm>>) dst(%arg7 : memref<16xi32, #tpu.memory_space<vmem>>)
      tpu.yield
    }) : () -> ()
    "tpu.region"() ({
      %run_scoped3A = tpu.sem_alloc : memref<!tpu.dma_semaphore, #tpu.memory_space<semaphore_mem>>
      %dma_start3A_63 = tpu.memref_slice %arg4[%add3A_34] : memref<2048xi32, #tpu.memory_space<hbm>> -> memref<16xi32, #tpu.memory_space<hbm>>
      %dma_start3A_64 = tpu.memref_slice %arg4[%add3A_34] : memref<2048xi32, #tpu.memory_space<hbm>> -> memref<16xi32, #tpu.memory_space<hbm>>
      tpu.enqueue_dma source(%dma_start3A_64 : memref<16xi32, #tpu.memory_space<hbm>>) target(%arg8 : memref<16xi32, #tpu.memory_space<vmem>>) target_semaphore(%run_scoped3A : memref<!tpu.dma_semaphore, #tpu.memory_space<semaphore_mem>>)
      %dma_wait3A_65 = tpu.memref_slice %arg4[%add3A_34] : memref<2048xi32, #tpu.memory_space<hbm>> -> memref<16xi32, #tpu.memory_space<hbm>>
      %dma_wait3A_66 = tpu.memref_slice %arg4[%add3A_34] : memref<2048xi32, #tpu.memory_space<hbm>> -> memref<16xi32, #tpu.memory_space<hbm>>
      tpu.wait_dma2 semaphore(%run_scoped3A : memref<!tpu.dma_semaphore, #tpu.memory_space<semaphore_mem>>) src(%dma_wait3A_66 : memref<16xi32, #tpu.memory_space<hbm>>) dst(%arg8 : memref<16xi32, #tpu.memory_space<vmem>>)
      tpu.yield
    }) : () -> ()
    "tpu.region"() ({
      %run_scoped3A = tpu.sem_alloc : memref<!tpu.dma_semaphore, #tpu.memory_space<semaphore_mem>>
      %dma_start3A_63 = arith.constant 0 : i32
      %dma_start3A_64 = tpu.memref_slice %arg2[%add3A_34, %dma_start3A_63] : memref<2048x1024xf32, #tpu.memory_space<hbm>> -> memref<16x1024xf32, #tpu.memory_space<hbm>>
      %dma_start3A_65 = arith.constant 0 : i32
      %dma_start3A_66 = tpu.memref_slice %arg2[%add3A_34, %dma_start3A_65] : memref<2048x1024xf32, #tpu.memory_space<hbm>> -> memref<16x1024xf32, #tpu.memory_space<hbm>>
      tpu.enqueue_dma source(%dma_start3A_66 : memref<16x1024xf32, #tpu.memory_space<hbm>>) target(%arg6 : memref<16x1024xf32, #tpu.memory_space<vmem>>) target_semaphore(%run_scoped3A : memref<!tpu.dma_semaphore, #tpu.memory_space<semaphore_mem>>)
      %dma_wait3A_67 = arith.constant 0 : i32
      %dma_wait3A_68 = tpu.memref_slice %arg2[%add3A_34, %dma_wait3A_67] : memref<2048x1024xf32, #tpu.memory_space<hbm>> -> memref<16x1024xf32, #tpu.memory_space<hbm>>
      %dma_wait3A_69 = arith.constant 0 : i32
      %dma_wait3A_70 = tpu.memref_slice %arg2[%add3A_34, %dma_wait3A_69] : memref<2048x1024xf32, #tpu.memory_space<hbm>> -> memref<16x1024xf32, #tpu.memory_space<hbm>>
      tpu.wait_dma2 semaphore(%run_scoped3A : memref<!tpu.dma_semaphore, #tpu.memory_space<semaphore_mem>>) src(%dma_wait3A_70 : memref<16x1024xf32, #tpu.memory_space<hbm>>) dst(%arg6 : memref<16x1024xf32, #tpu.memory_space<vmem>>)
      tpu.yield
    }) : () -> ()
    %dma_start3A_35 = arith.constant 0 : i32
    %dma_start3A_36 = arith.constant 0 : i32
    %dma_start3A_37 = tpu.memref_slice %arg5[%dma_start3A_35, %dma_start3A_36] : memref<8192x1024xf32, #tpu.memory_space<hbm>> -> memref<8192x1024xf32, #tpu.memory_space<hbm>>
    tpu.enqueue_indirect_dma source(%arg6 : memref<16x1024xf32, #tpu.memory_space<vmem>>) target(%dma_start3A_37 : memref<8192x1024xf32, #tpu.memory_space<hbm>>) offsets(%arg7 : memref<16xi32, #tpu.memory_space<vmem>>) semaphore(%arg9 : memref<!tpu.dma_semaphore, #tpu.memory_space<semaphore_mem>>)
    %dma_start3A_38 = arith.constant 0 : i32
    %dma_start3A_39 = arith.constant 0 : i32
    %dma_start3A_40 = tpu.memref_slice %arg5[%dma_start3A_38, %dma_start3A_39] : memref<8192x1024xf32, #tpu.memory_space<hbm>> -> memref<8192x1024xf32, #tpu.memory_space<hbm>>
    tpu.enqueue_indirect_dma source(%arg6 : memref<16x1024xf32, #tpu.memory_space<vmem>>) target(%dma_start3A_40 : memref<8192x1024xf32, #tpu.memory_space<hbm>>) offsets(%arg8 : memref<16xi32, #tpu.memory_space<vmem>>) semaphore(%arg10 : memref<!tpu.dma_semaphore, #tpu.memory_space<semaphore_mem>>)
    %dma_wait3A_41 = arith.constant 0 : i32
    %dma_wait3A_42 = arith.constant 0 : i32
    %dma_wait3A_43 = tpu.memref_slice %arg5[%dma_wait3A_41, %dma_wait3A_42] : memref<8192x1024xf32, #tpu.memory_space<hbm>> -> memref<8192x1024xf32, #tpu.memory_space<hbm>>
    tpu.wait_indirect_dma semaphore(%arg9 : memref<!tpu.dma_semaphore, #tpu.memory_space<semaphore_mem>>) src(%arg6 : memref<16x1024xf32, #tpu.memory_space<vmem>>) dst(%dma_wait3A_43 : memref<8192x1024xf32, #tpu.memory_space<hbm>>)
    %dma_wait3A_44 = arith.constant 0 : i32
    %dma_wait3A_45 = arith.constant 0 : i32
    %dma_wait3A_46 = tpu.memref_slice %arg5[%dma_wait3A_44, %dma_wait3A_45] : memref<8192x1024xf32, #tpu.memory_space<hbm>> -> memref<8192x1024xf32, #tpu.memory_space<hbm>>
    tpu.wait_indirect_dma semaphore(%arg10 : memref<!tpu.dma_semaphore, #tpu.memory_space<semaphore_mem>>) src(%arg6 : memref<16x1024xf32, #tpu.memory_space<vmem>>) dst(%dma_wait3A_46 : memref<8192x1024xf32, #tpu.memory_space<hbm>>)
    %mul3A_47 = arith.constant 64 : i32
    %mul3A_48 = arith.muli %add3A, %mul3A_47 : i32
    %add3A_49 = arith.constant 48 : i32
    %add3A_50 = arith.addi %mul3A_48, %add3A_49 : i32
    "tpu.region"() ({
      %run_scoped3A = tpu.sem_alloc : memref<!tpu.dma_semaphore, #tpu.memory_space<semaphore_mem>>
      %dma_start3A_63 = tpu.memref_slice %arg3[%add3A_50] : memref<2048xi32, #tpu.memory_space<hbm>> -> memref<16xi32, #tpu.memory_space<hbm>>
      %dma_start3A_64 = tpu.memref_slice %arg3[%add3A_50] : memref<2048xi32, #tpu.memory_space<hbm>> -> memref<16xi32, #tpu.memory_space<hbm>>
      tpu.enqueue_dma source(%dma_start3A_64 : memref<16xi32, #tpu.memory_space<hbm>>) target(%arg7 : memref<16xi32, #tpu.memory_space<vmem>>) target_semaphore(%run_scoped3A : memref<!tpu.dma_semaphore, #tpu.memory_space<semaphore_mem>>)
      %dma_wait3A_65 = tpu.memref_slice %arg3[%add3A_50] : memref<2048xi32, #tpu.memory_space<hbm>> -> memref<16xi32, #tpu.memory_space<hbm>>
      %dma_wait3A_66 = tpu.memref_slice %arg3[%add3A_50] : memref<2048xi32, #tpu.memory_space<hbm>> -> memref<16xi32, #tpu.memory_space<hbm>>
      tpu.wait_dma2 semaphore(%run_scoped3A : memref<!tpu.dma_semaphore, #tpu.memory_space<semaphore_mem>>) src(%dma_wait3A_66 : memref<16xi32, #tpu.memory_space<hbm>>) dst(%arg7 : memref<16xi32, #tpu.memory_space<vmem>>)
      tpu.yield
    }) : () -> ()
    "tpu.region"() ({
      %run_scoped3A = tpu.sem_alloc : memref<!tpu.dma_semaphore, #tpu.memory_space<semaphore_mem>>
      %dma_start3A_63 = tpu.memref_slice %arg4[%add3A_50] : memref<2048xi32, #tpu.memory_space<hbm>> -> memref<16xi32, #tpu.memory_space<hbm>>
      %dma_start3A_64 = tpu.memref_slice %arg4[%add3A_50] : memref<2048xi32, #tpu.memory_space<hbm>> -> memref<16xi32, #tpu.memory_space<hbm>>
      tpu.enqueue_dma source(%dma_start3A_64 : memref<16xi32, #tpu.memory_space<hbm>>) target(%arg8 : memref<16xi32, #tpu.memory_space<vmem>>) target_semaphore(%run_scoped3A : memref<!tpu.dma_semaphore, #tpu.memory_space<semaphore_mem>>)
      %dma_wait3A_65 = tpu.memref_slice %arg4[%add3A_50] : memref<2048xi32, #tpu.memory_space<hbm>> -> memref<16xi32, #tpu.memory_space<hbm>>
      %dma_wait3A_66 = tpu.memref_slice %arg4[%add3A_50] : memref<2048xi32, #tpu.memory_space<hbm>> -> memref<16xi32, #tpu.memory_space<hbm>>
      tpu.wait_dma2 semaphore(%run_scoped3A : memref<!tpu.dma_semaphore, #tpu.memory_space<semaphore_mem>>) src(%dma_wait3A_66 : memref<16xi32, #tpu.memory_space<hbm>>) dst(%arg8 : memref<16xi32, #tpu.memory_space<vmem>>)
      tpu.yield
    }) : () -> ()
    "tpu.region"() ({
      %run_scoped3A = tpu.sem_alloc : memref<!tpu.dma_semaphore, #tpu.memory_space<semaphore_mem>>
      %dma_start3A_63 = arith.constant 0 : i32
      %dma_start3A_64 = tpu.memref_slice %arg2[%add3A_50, %dma_start3A_63] : memref<2048x1024xf32, #tpu.memory_space<hbm>> -> memref<16x1024xf32, #tpu.memory_space<hbm>>
      %dma_start3A_65 = arith.constant 0 : i32
      %dma_start3A_66 = tpu.memref_slice %arg2[%add3A_50, %dma_start3A_65] : memref<2048x1024xf32, #tpu.memory_space<hbm>> -> memref<16x1024xf32, #tpu.memory_space<hbm>>
      tpu.enqueue_dma source(%dma_start3A_66 : memref<16x1024xf32, #tpu.memory_space<hbm>>) target(%arg6 : memref<16x1024xf32, #tpu.memory_space<vmem>>) target_semaphore(%run_scoped3A : memref<!tpu.dma_semaphore, #tpu.memory_space<semaphore_mem>>)
      %dma_wait3A_67 = arith.constant 0 : i32
      %dma_wait3A_68 = tpu.memref_slice %arg2[%add3A_50, %dma_wait3A_67] : memref<2048x1024xf32, #tpu.memory_space<hbm>> -> memref<16x1024xf32, #tpu.memory_space<hbm>>
      %dma_wait3A_69 = arith.constant 0 : i32
      %dma_wait3A_70 = tpu.memref_slice %arg2[%add3A_50, %dma_wait3A_69] : memref<2048x1024xf32, #tpu.memory_space<hbm>> -> memref<16x1024xf32, #tpu.memory_space<hbm>>
      tpu.wait_dma2 semaphore(%run_scoped3A : memref<!tpu.dma_semaphore, #tpu.memory_space<semaphore_mem>>) src(%dma_wait3A_70 : memref<16x1024xf32, #tpu.memory_space<hbm>>) dst(%arg6 : memref<16x1024xf32, #tpu.memory_space<vmem>>)
      tpu.yield
    }) : () -> ()
    %dma_start3A_51 = arith.constant 0 : i32
    %dma_start3A_52 = arith.constant 0 : i32
    %dma_start3A_53 = tpu.memref_slice %arg5[%dma_start3A_51, %dma_start3A_52] : memref<8192x1024xf32, #tpu.memory_space<hbm>> -> memref<8192x1024xf32, #tpu.memory_space<hbm>>
    tpu.enqueue_indirect_dma source(%arg6 : memref<16x1024xf32, #tpu.memory_space<vmem>>) target(%dma_start3A_53 : memref<8192x1024xf32, #tpu.memory_space<hbm>>) offsets(%arg7 : memref<16xi32, #tpu.memory_space<vmem>>) semaphore(%arg9 : memref<!tpu.dma_semaphore, #tpu.memory_space<semaphore_mem>>)
    %dma_start3A_54 = arith.constant 0 : i32
    %dma_start3A_55 = arith.constant 0 : i32
    %dma_start3A_56 = tpu.memref_slice %arg5[%dma_start3A_54, %dma_start3A_55] : memref<8192x1024xf32, #tpu.memory_space<hbm>> -> memref<8192x1024xf32, #tpu.memory_space<hbm>>
    tpu.enqueue_indirect_dma source(%arg6 : memref<16x1024xf32, #tpu.memory_space<vmem>>) target(%dma_start3A_56 : memref<8192x1024xf32, #tpu.memory_space<hbm>>) offsets(%arg8 : memref<16xi32, #tpu.memory_space<vmem>>) semaphore(%arg10 : memref<!tpu.dma_semaphore, #tpu.memory_space<semaphore_mem>>)
    %dma_wait3A_57 = arith.constant 0 : i32
    %dma_wait3A_58 = arith.constant 0 : i32
    %dma_wait3A_59 = tpu.memref_slice %arg5[%dma_wait3A_57, %dma_wait3A_58] : memref<8192x1024xf32, #tpu.memory_space<hbm>> -> memref<8192x1024xf32, #tpu.memory_space<hbm>>
    tpu.wait_indirect_dma semaphore(%arg9 : memref<!tpu.dma_semaphore, #tpu.memory_space<semaphore_mem>>) src(%arg6 : memref<16x1024xf32, #tpu.memory_space<vmem>>) dst(%dma_wait3A_59 : memref<8192x1024xf32, #tpu.memory_space<hbm>>)
    %dma_wait3A_60 = arith.constant 0 : i32
    %dma_wait3A_61 = arith.constant 0 : i32
    %dma_wait3A_62 = tpu.memref_slice %arg5[%dma_wait3A_60, %dma_wait3A_61] : memref<8192x1024xf32, #tpu.memory_space<hbm>> -> memref<8192x1024xf32, #tpu.memory_space<hbm>>
    tpu.wait_indirect_dma semaphore(%arg10 : memref<!tpu.dma_semaphore, #tpu.memory_space<semaphore_mem>>) src(%arg6 : memref<16x1024xf32, #tpu.memory_space<vmem>>) dst(%dma_wait3A_62 : memref<8192x1024xf32, #tpu.memory_space<hbm>>)
    return
  }
}

module attributes {stable_mosaic.version = 14 : i64} {
  func.func @_p5_body(%arg0: i32, %arg1: memref<512x1024xf32, #tpu.memory_space<vmem>>, %arg2: memref<512x1024xf32, #tpu.memory_space<vmem>>, %arg3: memref<512x128xf32, #tpu.memory_space<vmem>>, %arg4: memref<512x1024xf32, #tpu.memory_space<vmem>>, %arg5: memref<512x1024xf32, #tpu.memory_space<vmem>>) attributes {dimension_semantics = [#tpu.dimension_semantics<arbitrary>], iteration_bounds = array<i64: 4>, scalar_prefetch = 0 : i64, scratch_operands = 0 : i64, tpu.core_type = #tpu.core_type<tc>, window_params = [{transform_indices = @transform_0, window_bounds = array<i64: 512, 1024>}, {transform_indices = @transform_1, window_bounds = array<i64: 512, 1024>}, {transform_indices = @transform_2, window_bounds = array<i64: 512, 128>}, {transform_indices = @transform_3, window_bounds = array<i64: 512, 1024>}, {transform_indices = @transform_4, window_bounds = array<i64: 512, 1024>}]} {
    %get3A = arith.constant 0 : index
    %get3A_0 = arith.constant 0 : index
    %get3A_1 = vector.load %arg3[%get3A, %get3A_0] : memref<512x128xf32, #tpu.memory_space<vmem>>, vector<512x1xf32>
    %get3A_2 = arith.constant 0 : index
    %get3A_3 = arith.constant 16 : index
    %get3A_4 = vector.load %arg3[%get3A_2, %get3A_3] : memref<512x128xf32, #tpu.memory_space<vmem>>, vector<512x1xf32>
    %get3A_5 = arith.constant 0 : index
    %get3A_6 = arith.constant 0 : index
    %get3A_7 = vector.load %arg4[%get3A_5, %get3A_6] : memref<512x1024xf32, #tpu.memory_space<vmem>>, vector<512x1024xf32>
    %get3A_8 = arith.constant 0 : index
    %get3A_9 = arith.constant 0 : index
    %get3A_10 = vector.load %arg1[%get3A_8, %get3A_9] : memref<512x1024xf32, #tpu.memory_space<vmem>>, vector<512x1024xf32>
    %mul3A = vector.broadcast %get3A_1 : vector<512x1xf32> to vector<512x1024xf32>
    %mul3A_11 = arith.mulf %mul3A, %get3A_10 : vector<512x1024xf32>
    %add3A = arith.addf %get3A_7, %mul3A_11 : vector<512x1024xf32>
    %get3A_12 = arith.constant 0 : index
    %get3A_13 = arith.constant 0 : index
    %get3A_14 = vector.load %arg2[%get3A_12, %get3A_13] : memref<512x1024xf32, #tpu.memory_space<vmem>>, vector<512x1024xf32>
    %mul3A_15 = vector.broadcast %get3A_4 : vector<512x1xf32> to vector<512x1024xf32>
    %mul3A_16 = arith.mulf %mul3A_15, %get3A_14 : vector<512x1024xf32>
    %add3A_17 = arith.addf %add3A, %mul3A_16 : vector<512x1024xf32>
    %swap3A = arith.constant 0 : index
    %swap3A_18 = arith.constant 0 : index
    %swap3A_19 = vector.load %arg5[%swap3A, %swap3A_18] : memref<512x1024xf32, #tpu.memory_space<vmem>>, vector<512x1024xf32>
    tpu.vector_store %arg5[%swap3A, %swap3A_18], %add3A_17 {strides = array<i32>} : memref<512x1024xf32, #tpu.memory_space<vmem>>, vector<512x1024xf32>,
    return
  }
  func.func @transform_0(%arg0: i32) -> (i32, i32) {
    %c0_i32 = arith.constant 0 : i32
    %c0_i32_0 = arith.constant 0 : i32
    return %arg0, %c0_i32 : i32, i32
  }
  func.func @transform_1(%arg0: i32) -> (i32, i32) {
    %c0_i32 = arith.constant 0 : i32
    %c0_i32_0 = arith.constant 0 : i32
    return %arg0, %c0_i32 : i32, i32
  }
  func.func @transform_2(%arg0: i32) -> (i32, i32) {
    %c0_i32 = arith.constant 0 : i32
    %c0_i32_0 = arith.constant 0 : i32
    return %arg0, %c0_i32 : i32, i32
  }
  func.func @transform_3(%arg0: i32) -> (i32, i32) {
    %c0_i32 = arith.constant 0 : i32
    %c0_i32_0 = arith.constant 0 : i32
    return %arg0, %c0_i32 : i32, i32
  }
  func.func @transform_4(%arg0: i32) -> (i32, i32) {
    %c0_i32 = arith.constant 0 : i32
    %c0_i32_0 = arith.constant 0 : i32
    return %arg0, %c0_i32 : i32, i32
  }
}

module attributes {stable_mosaic.version = 14 : i64} {
  func.func @_p1_body(%arg0: i32, %arg1: memref<2048x1024xf32, #tpu.memory_space<vmem>>, %arg2: memref<1024x8xf32, #tpu.memory_space<vmem>>, %arg3: memref<1x8xf32, #tpu.memory_space<vmem>>, %arg4: memref<2048x128xi32, #tpu.memory_space<vmem>>, %arg5: memref<2048x128xf32, #tpu.memory_space<vmem>>, %arg6: memref<8x128xi32, #tpu.memory_space<vmem>>, %arg7: memref<2048x8xf32, #tpu.memory_space<vmem>>, %arg8: memref<2048x8xf32, #tpu.memory_space<vmem>>, %arg9: memref<8x128xf32, #tpu.memory_space<vmem>>) attributes {dimension_semantics = [#tpu.dimension_semantics<arbitrary>], iteration_bounds = array<i64: 5>, scalar_prefetch = 0 : i64, scratch_operands = 3 : i64, tpu.core_type = #tpu.core_type<tc>, window_params = [{pipeline_mode = #tpu.pipeline_mode<synchronous>, transform_indices = @transform_0, window_bounds = array<i64: 2048, 1024>}, {pipeline_mode = #tpu.pipeline_mode<synchronous>, transform_indices = @transform_1, window_bounds = array<i64: 1024, 8>}, {pipeline_mode = #tpu.pipeline_mode<synchronous>, transform_indices = @transform_2, window_bounds = array<i64: 1, 8>}, {pipeline_mode = #tpu.pipeline_mode<synchronous>, transform_indices = @transform_3, window_bounds = array<i64: 2048, 128>}, {pipeline_mode = #tpu.pipeline_mode<synchronous>, transform_indices = @transform_4, window_bounds = array<i64: 2048, 128>}, {pipeline_mode = #tpu.pipeline_mode<synchronous>, transform_indices = @transform_5, window_bounds = array<i64: 8, 128>}]} {
    %eq3A = arith.constant 0 : i32
    %eq3A_0 = arith.cmpi eq, %arg0, %eq3A : i32
    %convert_element_type3A = arith.extui %eq3A_0 : i1 to i32
    %cond3A = arith.constant 0 : i32
    %cond3A_1 = arith.cmpi ne, %convert_element_type3A, %cond3A : i32
    scf.if %cond3A_1 {
      %broadcast_in_dim3A = arith.constant 0.000000e+00 : f32
      %broadcast_in_dim3A_11 = vector.broadcast %broadcast_in_dim3A : f32 to vector<8x128xf32>
      %swap3A = arith.constant 0 : index
      %swap3A_12 = arith.constant 0 : index
      %swap3A_13 = vector.load %arg9[%swap3A, %swap3A_12] : memref<8x128xf32, #tpu.memory_space<vmem>>, vector<8x128xf32>
      tpu.vector_store %arg9[%swap3A, %swap3A_12], %broadcast_in_dim3A_11 {strides = array<i32>} : memref<8x128xf32, #tpu.memory_space<vmem>>, vector<8x128xf32>,
    } else {
    }
    %lt3A = arith.constant 4 : i32
    %lt3A_2 = arith.cmpi slt, %arg0, %lt3A : i32
    %convert_element_type3A_3 = arith.extui %lt3A_2 : i1 to i32
    %cond3A_4 = arith.constant 0 : i32
    %cond3A_5 = arith.cmpi ne, %convert_element_type3A_3, %cond3A_4 : i32
    scf.if %cond3A_5 {
      %mul3A = arith.constant 512 : i32
      %mul3A_11 = arith.muli %arg0, %mul3A : i32
      %get3A = arith.index_cast %mul3A_11 : i32 to index
      %get3A_12 = arith.constant 0 : index
      %get3A_13 = vector.load %arg1[%get3A, %get3A_12] : memref<2048x1024xf32, #tpu.memory_space<vmem>>, vector<512x1024xf32>
      %get3A_14 = arith.constant 0 : index
      %get3A_15 = arith.constant 0 : index
      %get3A_16 = vector.load %arg2[%get3A_14, %get3A_15] : memref<1024x8xf32, #tpu.memory_space<vmem>>, vector<1024x8xf32>
      %dot_general3A = arith.constant dense<0.000000e+00> : vector<512x8xf32>
      %dot_general3A_17 = tpu.matmul %get3A_13, %get3A_16, %dot_general3A {dimension_numbers = #tpu.dot_dimension_numbers<[1], [0], [0], [1], [0, 0, 1, 1], [], []>, transpose_lhs_hint = false} : vector<512x1024xf32>, vector<1024x8xf32>, vector<512x8xf32> -> vector<512x8xf32>
      %logistic3A = arith.negf %dot_general3A_17 : vector<512x8xf32>
      %logistic3A_18 = math.exp %logistic3A : vector<512x8xf32>
      %logistic3A_19 = arith.constant 1.000000e+00 : f32
      %logistic3A_20 = vector.broadcast %logistic3A_19 : f32 to vector<512x8xf32>
      %logistic3A_21 = arith.addf %logistic3A_20, %logistic3A_18 : vector<512x8xf32>
      %logistic3A_22 = arith.divf %logistic3A_20, %logistic3A_21 : vector<512x8xf32>
      %get3A_23 = arith.constant 0 : index
      %get3A_24 = arith.constant 0 : index
      %get3A_25 = vector.load %arg3[%get3A_23, %get3A_24] : memref<1x8xf32, #tpu.memory_space<vmem>>, vector<1x8xf32>
      %add3A = vector.broadcast %get3A_25 : vector<1x8xf32> to vector<512x8xf32>
      %add3A_26 = arith.addf %logistic3A_22, %add3A : vector<512x8xf32>
      %iota3A = tpu.iota {dimensions = array<i32: 1>} : vector<512x8xi32>
      %reduce_max3A = arith.constant dense<0xFF800000> : vector<512xf32>
      %reduce_max3A_27 = vector.multi_reduction <maximumf>, %add3A_26, %reduce_max3A [1] : vector<512x8xf32> to vector<512xf32>
      %broadcast_in_dim3A = vector.shape_cast %reduce_max3A_27 : vector<512xf32> to vector<512x1xf32>
      %eq3A_28 = vector.broadcast %broadcast_in_dim3A : vector<512x1xf32> to vector<512x8xf32>
      %eq3A_29 = arith.cmpf oeq, %add3A_26, %eq3A_28 : vector<512x8xf32>
      %jit3A = arith.constant 8 : i32
      %broadcast_in_dim3A_30 = vector.broadcast %jit3A : i32 to vector<512x8xi32>
      %select_n3A = arith.select %eq3A_29, %iota3A, %broadcast_in_dim3A_30 : vector<512x8xi1>, vector<512x8xi32>
      %reduce_min3A = arith.constant dense<2147483647> : vector<512xi32>
      %reduce_min3A_31 = vector.multi_reduction <minsi>, %select_n3A, %reduce_min3A [1] : vector<512x8xi32> to vector<512xi32>
      %broadcast_in_dim3A_32 = vector.shape_cast %reduce_min3A_31 : vector<512xi32> to vector<512x1xi32>
      %eq3A_33 = vector.broadcast %broadcast_in_dim3A_32 : vector<512x1xi32> to vector<512x8xi32>
      %eq3A_34 = arith.cmpi eq, %iota3A, %eq3A_33 : vector<512x8xi32>
      %jit3A_35 = arith.constant 0xFF800000 : f32
      %broadcast_in_dim3A_36 = vector.broadcast %jit3A_35 : f32 to vector<512x8xf32>
      %select_n3A_37 = arith.select %eq3A_34, %broadcast_in_dim3A_36, %add3A_26 : vector<512x8xi1>, vector<512x8xf32>
      %reduce_max3A_38 = arith.constant dense<0xFF800000> : vector<512xf32>
      %reduce_max3A_39 = vector.multi_reduction <maximumf>, %select_n3A_37, %reduce_max3A_38 [1] : vector<512x8xf32> to vector<512xf32>
      %broadcast_in_dim3A_40 = vector.shape_cast %reduce_max3A_39 : vector<512xf32> to vector<512x1xf32>
      %eq3A_41 = vector.broadcast %broadcast_in_dim3A_40 : vector<512x1xf32> to vector<512x8xf32>
      %eq3A_42 = arith.cmpf oeq, %select_n3A_37, %eq3A_41 : vector<512x8xf32>
      %jit3A_43 = arith.constant 8 : i32
      %broadcast_in_dim3A_44 = vector.broadcast %jit3A_43 : i32 to vector<512x8xi32>
      %select_n3A_45 = arith.select %eq3A_42, %iota3A, %broadcast_in_dim3A_44 : vector<512x8xi1>, vector<512x8xi32>
      %reduce_min3A_46 = arith.constant dense<2147483647> : vector<512xi32>
      %reduce_min3A_47 = vector.multi_reduction <minsi>, %select_n3A_45, %reduce_min3A_46 [1] : vector<512x8xi32> to vector<512xi32>
      %broadcast_in_dim3A_48 = vector.shape_cast %reduce_min3A_47 : vector<512xi32> to vector<512x1xi32>
      %eq3A_49 = vector.broadcast %broadcast_in_dim3A_32 : vector<512x1xi32> to vector<512x8xi32>
      %eq3A_50 = arith.cmpi eq, %iota3A, %eq3A_49 : vector<512x8xi32>
      %jit3A_51 = arith.constant 0.000000e+00 : f32
      %broadcast_in_dim3A_52 = vector.broadcast %jit3A_51 : f32 to vector<512x8xf32>
      %select_n3A_53 = arith.select %eq3A_50, %logistic3A_22, %broadcast_in_dim3A_52 : vector<512x8xi1>, vector<512x8xf32>
      %reduce_sum3A = arith.constant dense<0.000000e+00> : vector<512xf32>
      %reduce_sum3A_54 = vector.multi_reduction <add>, %select_n3A_53, %reduce_sum3A [1] : vector<512x8xf32> to vector<512xf32>
      %broadcast_in_dim3A_55 = vector.shape_cast %reduce_sum3A_54 : vector<512xf32> to vector<512x1xf32>
      %eq3A_56 = vector.broadcast %broadcast_in_dim3A_48 : vector<512x1xi32> to vector<512x8xi32>
      %eq3A_57 = arith.cmpi eq, %iota3A, %eq3A_56 : vector<512x8xi32>
      %jit3A_58 = arith.constant 0.000000e+00 : f32
      %broadcast_in_dim3A_59 = vector.broadcast %jit3A_58 : f32 to vector<512x8xf32>
      %select_n3A_60 = arith.select %eq3A_57, %logistic3A_22, %broadcast_in_dim3A_59 : vector<512x8xi1>, vector<512x8xf32>
      %reduce_sum3A_61 = arith.constant dense<0.000000e+00> : vector<512xf32>
      %reduce_sum3A_62 = vector.multi_reduction <add>, %select_n3A_60, %reduce_sum3A_61 [1] : vector<512x8xf32> to vector<512xf32>
      %broadcast_in_dim3A_63 = vector.shape_cast %reduce_sum3A_62 : vector<512xf32> to vector<512x1xf32>
      %add3A_64 = arith.addf %broadcast_in_dim3A_55, %broadcast_in_dim3A_63 : vector<512x1xf32>
      %add3A_65 = arith.constant 9.99999968E-21 : f32
      %add3A_66 = vector.broadcast %add3A_65 : f32 to vector<512x1xf32>
      %add3A_67 = arith.addf %add3A_64, %add3A_66 : vector<512x1xf32>
      %div3A = arith.divf %broadcast_in_dim3A_55, %add3A_67 : vector<512x1xf32>
      %mul3A_68 = arith.constant 2.500000e+00 : f32
      %mul3A_69 = vector.broadcast %mul3A_68 : f32 to vector<512x1xf32>
      %mul3A_70 = arith.mulf %div3A, %mul3A_69 : vector<512x1xf32>
      %div3A_71 = arith.divf %broadcast_in_dim3A_63, %add3A_67 : vector<512x1xf32>
      %mul3A_72 = arith.constant 2.500000e+00 : f32
      %mul3A_73 = vector.broadcast %mul3A_72 : f32 to vector<512x1xf32>
      %mul3A_74 = arith.mulf %div3A_71, %mul3A_73 : vector<512x1xf32>
      %convert_element_type3A_75 = arith.sitofp %broadcast_in_dim3A_32 : vector<512x1xi32> to vector<512x1xf32>
      %swap3A = arith.index_cast %mul3A_11 : i32 to index
      %swap3A_76 = arith.constant 0 : index
      %swap3A_77 = vector.load %arg8[%swap3A, %swap3A_76] : memref<2048x8xf32, #tpu.memory_space<vmem>>, vector<512x1xf32>
      tpu.vector_store %arg8[%swap3A, %swap3A_76], %convert_element_type3A_75 {strides = array<i32>} : memref<2048x8xf32, #tpu.memory_space<vmem>>, vector<512x1xf32>,
      %convert_element_type3A_78 = arith.sitofp %broadcast_in_dim3A_48 : vector<512x1xi32> to vector<512x1xf32>
      %swap3A_79 = arith.index_cast %mul3A_11 : i32 to index
      %swap3A_80 = arith.constant 1 : index
      %swap3A_81 = vector.load %arg8[%swap3A_79, %swap3A_80] : memref<2048x8xf32, #tpu.memory_space<vmem>>, vector<512x1xf32>
      tpu.vector_store %arg8[%swap3A_79, %swap3A_80], %convert_element_type3A_78 {strides = array<i32>} : memref<2048x8xf32, #tpu.memory_space<vmem>>, vector<512x1xf32>,
      %iota3A_82 = tpu.iota {dimensions = array<i32: 1>} : vector<512x128xi32>
      %lt3A_83 = arith.constant 16 : i32
      %lt3A_84 = vector.broadcast %lt3A_83 : i32 to vector<512x128xi32>
      %lt3A_85 = arith.cmpi slt, %iota3A_82, %lt3A_84 : vector<512x128xi32>
      %lt3A_86 = arith.constant 32 : i32
      %lt3A_87 = vector.broadcast %lt3A_86 : i32 to vector<512x128xi32>
      %lt3A_88 = arith.cmpi slt, %iota3A_82, %lt3A_87 : vector<512x128xi32>
      %jit3A_89 = arith.constant 0.000000e+00 : f32
      %broadcast_in_dim3A_90 = vector.shape_cast %mul3A_74 : vector<512x1xf32> to vector<512x1xf32>
      %broadcast_in_dim3A_91 = vector.broadcast %broadcast_in_dim3A_90 : vector<512x1xf32> to vector<512x128xf32>
      %broadcast_in_dim3A_92 = vector.broadcast %jit3A_89 : f32 to vector<512x128xf32>
      %select_n3A_93 = arith.select %lt3A_88, %broadcast_in_dim3A_91, %broadcast_in_dim3A_92 : vector<512x128xi1>, vector<512x128xf32>
      %broadcast_in_dim3A_94 = vector.shape_cast %mul3A_70 : vector<512x1xf32> to vector<512x1xf32>
      %broadcast_in_dim3A_95 = vector.broadcast %broadcast_in_dim3A_94 : vector<512x1xf32> to vector<512x128xf32>
      %select_n3A_96 = arith.select %lt3A_85, %broadcast_in_dim3A_95, %select_n3A_93 : vector<512x128xi1>, vector<512x128xf32>
      %swap3A_97 = arith.index_cast %mul3A_11 : i32 to index
      %swap3A_98 = arith.constant 0 : index
      %swap3A_99 = vector.load %arg5[%swap3A_97, %swap3A_98] : memref<2048x128xf32, #tpu.memory_space<vmem>>, vector<512x128xf32>
      tpu.vector_store %arg5[%swap3A_97, %swap3A_98], %select_n3A_96 {strides = array<i32>} : memref<2048x128xf32, #tpu.memory_space<vmem>>, vector<512x128xf32>,
      %eq3A_100 = vector.broadcast %broadcast_in_dim3A_32 : vector<512x1xi32> to vector<512x8xi32>
      %eq3A_101 = arith.cmpi eq, %iota3A, %eq3A_100 : vector<512x8xi32>
      %eq3A_102 = vector.broadcast %broadcast_in_dim3A_48 : vector<512x1xi32> to vector<512x8xi32>
      %eq3A_103 = arith.cmpi eq, %iota3A, %eq3A_102 : vector<512x8xi32>
      %or3A = arith.ori %eq3A_101, %eq3A_103 : vector<512x8xi1>
      %convert_element_type3A_104 = arith.extui %or3A : vector<512x8xi1> to vector<512x8xi32>
      %convert_element_type3A_105 = arith.sitofp %convert_element_type3A_104 : vector<512x8xi32> to vector<512x8xf32>
      %iota3A_106 = tpu.iota {dimensions = array<i32: 0>} : vector<512x512xi32>
      %iota3A_107 = tpu.iota {dimensions = array<i32: 1>} : vector<512x512xi32>
      %lt3A_108 = arith.cmpi slt, %iota3A_107, %iota3A_106 : vector<512x512xi32>
      %convert_element_type3A_109 = arith.extui %lt3A_108 : vector<512x512xi1> to vector<512x512xi32>
      %convert_element_type3A_110 = arith.sitofp %convert_element_type3A_109 : vector<512x512xi32> to vector<512x512xf32>
      %dot_general3A_111 = arith.constant dense<0.000000e+00> : vector<512x8xf32>
      %dot_general3A_112 = tpu.matmul %convert_element_type3A_110, %convert_element_type3A_105, %dot_general3A_111 {dimension_numbers = #tpu.dot_dimension_numbers<[1], [0], [0], [1], [0, 0, 1, 1], [], []>, transpose_lhs_hint = false} : vector<512x512xf32>, vector<512x8xf32>, vector<512x8xf32> -> vector<512x8xf32>
      %get3A_113 = arith.constant 0 : index
      %get3A_114 = arith.constant 0 : index
      %get3A_115 = vector.load %arg9[%get3A_113, %get3A_114] : memref<8x128xf32, #tpu.memory_space<vmem>>, vector<1x8xf32>
      %add3A_116 = vector.broadcast %get3A_115 : vector<1x8xf32> to vector<512x8xf32>
      %add3A_117 = arith.addf %dot_general3A_112, %add3A_116 : vector<512x8xf32>
      %swap3A_118 = arith.index_cast %mul3A_11 : i32 to index
      %swap3A_119 = arith.constant 0 : index
      %swap3A_120 = vector.load %arg7[%swap3A_118, %swap3A_119] : memref<2048x8xf32, #tpu.memory_space<vmem>>, vector<512x8xf32>
      tpu.vector_store %arg7[%swap3A_118, %swap3A_119], %add3A_117 {strides = array<i32>} : memref<2048x8xf32, #tpu.memory_space<vmem>>, vector<512x8xf32>,
      %get3A_121 = arith.constant 0 : index
      %get3A_122 = arith.constant 0 : index
      %get3A_123 = vector.load %arg9[%get3A_121, %get3A_122] : memref<8x128xf32, #tpu.memory_space<vmem>>, vector<1x8xf32>
      %reduce_sum3A_124 = arith.constant dense<0.000000e+00> : vector<8xf32>
      %reduce_sum3A_125 = vector.multi_reduction <add>, %convert_element_type3A_105, %reduce_sum3A_124 [0] : vector<512x8xf32> to vector<8xf32>
      %broadcast_in_dim3A_126 = vector.shape_cast %reduce_sum3A_125 : vector<8xf32> to vector<1x8xf32>
      %add3A_127 = arith.addf %get3A_123, %broadcast_in_dim3A_126 : vector<1x8xf32>
      %swap3A_128 = arith.constant 0 : index
      %swap3A_129 = arith.constant 0 : index
      %swap3A_130 = vector.load %arg9[%swap3A_128, %swap3A_129] : memref<8x128xf32, #tpu.memory_space<vmem>>, vector<1x8xf32>
      tpu.vector_store %arg9[%swap3A_128, %swap3A_129], %add3A_127 {strides = array<i32>} : memref<8x128xf32, #tpu.memory_space<vmem>>, vector<1x8xf32>,
    } else {
    }
    %eq3A_6 = arith.constant 4 : i32
    %eq3A_7 = arith.cmpi eq, %arg0, %eq3A_6 : i32
    %convert_element_type3A_8 = arith.extui %eq3A_7 : i1 to i32
    %cond3A_9 = arith.constant 0 : i32
    %cond3A_10 = arith.cmpi ne, %convert_element_type3A_8, %cond3A_9 : i32
    scf.if %cond3A_10 {
      %get3A = arith.constant 0 : index
      %get3A_11 = arith.constant 0 : index
      %get3A_12 = vector.load %arg9[%get3A, %get3A_11] : memref<8x128xf32, #tpu.memory_space<vmem>>, vector<1x8xf32>
      %div3A = arith.constant 5.120000e+02 : f32
      %div3A_13 = vector.broadcast %div3A : f32 to vector<1x8xf32>
      %div3A_14 = arith.divf %get3A_12, %div3A_13 : vector<1x8xf32>
      %ceil3A = math.ceil %div3A_14 : vector<1x8xf32>
      %mul3A = arith.constant 5.120000e+02 : f32
      %mul3A_15 = vector.broadcast %mul3A : f32 to vector<1x8xf32>
      %mul3A_16 = arith.mulf %ceil3A, %mul3A_15 : vector<1x8xf32>
      %iota3A = tpu.iota {dimensions = array<i32: 0>} : vector<8x8xi32>
      %iota3A_17 = tpu.iota {dimensions = array<i32: 1>} : vector<8x8xi32>
      %lt3A_18 = arith.cmpi slt, %iota3A, %iota3A_17 : vector<8x8xi32>
      %convert_element_type3A_19 = arith.extui %lt3A_18 : vector<8x8xi1> to vector<8x8xi32>
      %convert_element_type3A_20 = arith.sitofp %convert_element_type3A_19 : vector<8x8xi32> to vector<8x8xf32>
      %dot_general3A = arith.constant dense<0.000000e+00> : vector<1x8xf32>
      %dot_general3A_21 = tpu.matmul %mul3A_16, %convert_element_type3A_20, %dot_general3A {dimension_numbers = #tpu.dot_dimension_numbers<[1], [0], [0], [1], [0, 0, 1, 1], [], []>, transpose_lhs_hint = false} : vector<1x8xf32>, vector<8x8xf32>, vector<1x8xf32> -> vector<1x8xf32>
      %add3A = arith.addf %dot_general3A_21, %mul3A_16 : vector<1x8xf32>
      %get3A_22 = arith.constant 0 : index
      %get3A_23 = arith.constant 0 : index
      %get3A_24 = vector.load %arg7[%get3A_22, %get3A_23] : memref<2048x8xf32, #tpu.memory_space<vmem>>, vector<2048x8xf32>
      %add3A_25 = vector.broadcast %dot_general3A_21 : vector<1x8xf32> to vector<2048x8xf32>
      %add3A_26 = arith.addf %add3A_25, %get3A_24 : vector<2048x8xf32>
      %get3A_27 = arith.constant 0 : index
      %get3A_28 = arith.constant 0 : index
      %get3A_29 = vector.load %arg8[%get3A_27, %get3A_28] : memref<2048x8xf32, #tpu.memory_space<vmem>>, vector<2048x1xf32>
      %get3A_30 = arith.constant 0 : index
      %get3A_31 = arith.constant 1 : index
      %get3A_32 = vector.load %arg8[%get3A_30, %get3A_31] : memref<2048x8xf32, #tpu.memory_space<vmem>>, vector<2048x1xf32>
      %iota3A_33 = tpu.iota {dimensions = array<i32: 1>} : vector<2048x8xi32>
      %convert_element_type3A_34 = arith.sitofp %iota3A_33 : vector<2048x8xi32> to vector<2048x8xf32>
      %eq3A_35 = vector.broadcast %get3A_29 : vector<2048x1xf32> to vector<2048x8xf32>
      %eq3A_36 = arith.cmpf oeq, %convert_element_type3A_34, %eq3A_35 : vector<2048x8xf32>
      %jit3A = arith.constant 0.000000e+00 : f32
      %broadcast_in_dim3A = vector.broadcast %jit3A : f32 to vector<2048x8xf32>
      %select_n3A = arith.select %eq3A_36, %add3A_26, %broadcast_in_dim3A : vector<2048x8xi1>, vector<2048x8xf32>
      %reduce_sum3A = arith.constant dense<0.000000e+00> : vector<2048xf32>
      %reduce_sum3A_37 = vector.multi_reduction <add>, %select_n3A, %reduce_sum3A [1] : vector<2048x8xf32> to vector<2048xf32>
      %broadcast_in_dim3A_38 = vector.shape_cast %reduce_sum3A_37 : vector<2048xf32> to vector<2048x1xf32>
      %eq3A_39 = vector.broadcast %get3A_32 : vector<2048x1xf32> to vector<2048x8xf32>
      %eq3A_40 = arith.cmpf oeq, %convert_element_type3A_34, %eq3A_39 : vector<2048x8xf32>
      %jit3A_41 = arith.constant 0.000000e+00 : f32
      %broadcast_in_dim3A_42 = vector.broadcast %jit3A_41 : f32 to vector<2048x8xf32>
      %select_n3A_43 = arith.select %eq3A_40, %add3A_26, %broadcast_in_dim3A_42 : vector<2048x8xi1>, vector<2048x8xf32>
      %reduce_sum3A_44 = arith.constant dense<0.000000e+00> : vector<2048xf32>
      %reduce_sum3A_45 = vector.multi_reduction <add>, %select_n3A_43, %reduce_sum3A_44 [1] : vector<2048x8xf32> to vector<2048xf32>
      %broadcast_in_dim3A_46 = vector.shape_cast %reduce_sum3A_45 : vector<2048xf32> to vector<2048x1xf32>
      %iota3A_47 = tpu.iota {dimensions = array<i32: 1>} : vector<2048x128xi32>
      %eq3A_48 = arith.constant 0 : i32
      %eq3A_49 = vector.broadcast %eq3A_48 : i32 to vector<2048x128xi32>
      %eq3A_50 = arith.cmpi eq, %iota3A_47, %eq3A_49 : vector<2048x128xi32>
      %eq3A_51 = arith.constant 1 : i32
      %eq3A_52 = vector.broadcast %eq3A_51 : i32 to vector<2048x128xi32>
      %eq3A_53 = arith.cmpi eq, %iota3A_47, %eq3A_52 : vector<2048x128xi32>
      %jit3A_54 = arith.constant 0.000000e+00 : f32
      %broadcast_in_dim3A_55 = vector.shape_cast %broadcast_in_dim3A_46 : vector<2048x1xf32> to vector<2048x1xf32>
      %broadcast_in_dim3A_56 = vector.broadcast %broadcast_in_dim3A_55 : vector<2048x1xf32> to vector<2048x128xf32>
      %broadcast_in_dim3A_57 = vector.broadcast %jit3A_54 : f32 to vector<2048x128xf32>
      %select_n3A_58 = arith.select %eq3A_53, %broadcast_in_dim3A_56, %broadcast_in_dim3A_57 : vector<2048x128xi1>, vector<2048x128xf32>
      %broadcast_in_dim3A_59 = vector.shape_cast %broadcast_in_dim3A_38 : vector<2048x1xf32> to vector<2048x1xf32>
      %broadcast_in_dim3A_60 = vector.broadcast %broadcast_in_dim3A_59 : vector<2048x1xf32> to vector<2048x128xf32>
      %select_n3A_61 = arith.select %eq3A_50, %broadcast_in_dim3A_60, %select_n3A_58 : vector<2048x128xi1>, vector<2048x128xf32>
      %convert_element_type3A_62 = arith.fptosi %select_n3A_61 : vector<2048x128xf32> to vector<2048x128xi32>
      %swap3A = arith.constant 0 : index
      %swap3A_63 = arith.constant 0 : index
      %swap3A_64 = vector.load %arg4[%swap3A, %swap3A_63] : memref<2048x128xi32, #tpu.memory_space<vmem>>, vector<2048x128xi32>
      tpu.vector_store %arg4[%swap3A, %swap3A_63], %convert_element_type3A_62 {strides = array<i32>} : memref<2048x128xi32, #tpu.memory_space<vmem>>, vector<2048x128xi32>,
      %iota3A_65 = tpu.iota {dimensions = array<i32: 1>} : vector<8x128xi32>
      %convert_element_type3A_66 = arith.sitofp %iota3A_65 : vector<8x128xi32> to vector<8x128xf32>
      %mul3A_67 = arith.constant 5.120000e+02 : f32
      %mul3A_68 = vector.broadcast %mul3A_67 : f32 to vector<8x128xf32>
      %mul3A_69 = arith.mulf %convert_element_type3A_66, %mul3A_68 : vector<8x128xf32>
      %broadcast_in_dim3A_70 = arith.constant 0.000000e+00 : f32
      %broadcast_in_dim3A_71 = vector.broadcast %broadcast_in_dim3A_70 : f32 to vector<8x128xf32>
      %slice3A = vector.extract_strided_slice %add3A {offsets = [0, 0], sizes = [1, 1], strides = [1, 1]} : vector<1x8xf32> to vector<1x1xf32>
      %squeeze3A = vector.extract %slice3A[0, 0] : f32 from vector<1x1xf32>
      %ge3A = vector.broadcast %squeeze3A : f32 to vector<8x128xf32>
      %ge3A_72 = arith.cmpf oge, %mul3A_69, %ge3A : vector<8x128xf32>
      %convert_element_type3A_73 = arith.extui %ge3A_72 : vector<8x128xi1> to vector<8x128xi32>
      %convert_element_type3A_74 = arith.sitofp %convert_element_type3A_73 : vector<8x128xi32> to vector<8x128xf32>
      %add3A_75 = arith.addf %broadcast_in_dim3A_71, %convert_element_type3A_74 : vector<8x128xf32>
      %slice3A_76 = vector.extract_strided_slice %add3A {offsets = [0, 1], sizes = [1, 1], strides = [1, 1]} : vector<1x8xf32> to vector<1x1xf32>
      %squeeze3A_77 = vector.extract %slice3A_76[0, 0] : f32 from vector<1x1xf32>
      %ge3A_78 = vector.broadcast %squeeze3A_77 : f32 to vector<8x128xf32>
      %ge3A_79 = arith.cmpf oge, %mul3A_69, %ge3A_78 : vector<8x128xf32>
      %convert_element_type3A_80 = arith.extui %ge3A_79 : vector<8x128xi1> to vector<8x128xi32>
      %convert_element_type3A_81 = arith.sitofp %convert_element_type3A_80 : vector<8x128xi32> to vector<8x128xf32>
      %add3A_82 = arith.addf %add3A_75, %convert_element_type3A_81 : vector<8x128xf32>
      %slice3A_83 = vector.extract_strided_slice %add3A {offsets = [0, 2], sizes = [1, 1], strides = [1, 1]} : vector<1x8xf32> to vector<1x1xf32>
      %squeeze3A_84 = vector.extract %slice3A_83[0, 0] : f32 from vector<1x1xf32>
      %ge3A_85 = vector.broadcast %squeeze3A_84 : f32 to vector<8x128xf32>
      %ge3A_86 = arith.cmpf oge, %mul3A_69, %ge3A_85 : vector<8x128xf32>
      %convert_element_type3A_87 = arith.extui %ge3A_86 : vector<8x128xi1> to vector<8x128xi32>
      %convert_element_type3A_88 = arith.sitofp %convert_element_type3A_87 : vector<8x128xi32> to vector<8x128xf32>
      %add3A_89 = arith.addf %add3A_82, %convert_element_type3A_88 : vector<8x128xf32>
      %slice3A_90 = vector.extract_strided_slice %add3A {offsets = [0, 3], sizes = [1, 1], strides = [1, 1]} : vector<1x8xf32> to vector<1x1xf32>
      %squeeze3A_91 = vector.extract %slice3A_90[0, 0] : f32 from vector<1x1xf32>
      %ge3A_92 = vector.broadcast %squeeze3A_91 : f32 to vector<8x128xf32>
      %ge3A_93 = arith.cmpf oge, %mul3A_69, %ge3A_92 : vector<8x128xf32>
      %convert_element_type3A_94 = arith.extui %ge3A_93 : vector<8x128xi1> to vector<8x128xi32>
      %convert_element_type3A_95 = arith.sitofp %convert_element_type3A_94 : vector<8x128xi32> to vector<8x128xf32>
      %add3A_96 = arith.addf %add3A_89, %convert_element_type3A_95 : vector<8x128xf32>
      %slice3A_97 = vector.extract_strided_slice %add3A {offsets = [0, 4], sizes = [1, 1], strides = [1, 1]} : vector<1x8xf32> to vector<1x1xf32>
      %squeeze3A_98 = vector.extract %slice3A_97[0, 0] : f32 from vector<1x1xf32>
      %ge3A_99 = vector.broadcast %squeeze3A_98 : f32 to vector<8x128xf32>
      %ge3A_100 = arith.cmpf oge, %mul3A_69, %ge3A_99 : vector<8x128xf32>
      %convert_element_type3A_101 = arith.extui %ge3A_100 : vector<8x128xi1> to vector<8x128xi32>
      %convert_element_type3A_102 = arith.sitofp %convert_element_type3A_101 : vector<8x128xi32> to vector<8x128xf32>
      %add3A_103 = arith.addf %add3A_96, %convert_element_type3A_102 : vector<8x128xf32>
      %slice3A_104 = vector.extract_strided_slice %add3A {offsets = [0, 5], sizes = [1, 1], strides = [1, 1]} : vector<1x8xf32> to vector<1x1xf32>
      %squeeze3A_105 = vector.extract %slice3A_104[0, 0] : f32 from vector<1x1xf32>
      %ge3A_106 = vector.broadcast %squeeze3A_105 : f32 to vector<8x128xf32>
      %ge3A_107 = arith.cmpf oge, %mul3A_69, %ge3A_106 : vector<8x128xf32>
      %convert_element_type3A_108 = arith.extui %ge3A_107 : vector<8x128xi1> to vector<8x128xi32>
      %convert_element_type3A_109 = arith.sitofp %convert_element_type3A_108 : vector<8x128xi32> to vector<8x128xf32>
      %add3A_110 = arith.addf %add3A_103, %convert_element_type3A_109 : vector<8x128xf32>
      %slice3A_111 = vector.extract_strided_slice %add3A {offsets = [0, 6], sizes = [1, 1], strides = [1, 1]} : vector<1x8xf32> to vector<1x1xf32>
      %squeeze3A_112 = vector.extract %slice3A_111[0, 0] : f32 from vector<1x1xf32>
      %ge3A_113 = vector.broadcast %squeeze3A_112 : f32 to vector<8x128xf32>
      %ge3A_114 = arith.cmpf oge, %mul3A_69, %ge3A_113 : vector<8x128xf32>
      %convert_element_type3A_115 = arith.extui %ge3A_114 : vector<8x128xi1> to vector<8x128xi32>
      %convert_element_type3A_116 = arith.sitofp %convert_element_type3A_115 : vector<8x128xi32> to vector<8x128xf32>
      %add3A_117 = arith.addf %add3A_110, %convert_element_type3A_116 : vector<8x128xf32>
      %slice3A_118 = vector.extract_strided_slice %add3A {offsets = [0, 7], sizes = [1, 1], strides = [1, 1]} : vector<1x8xf32> to vector<1x1xf32>
      %squeeze3A_119 = vector.extract %slice3A_118[0, 0] : f32 from vector<1x1xf32>
      %ge3A_120 = vector.broadcast %squeeze3A_119 : f32 to vector<8x128xf32>
      %ge3A_121 = arith.cmpf oge, %mul3A_69, %ge3A_120 : vector<8x128xf32>
      %convert_element_type3A_122 = arith.extui %ge3A_121 : vector<8x128xi1> to vector<8x128xi32>
      %convert_element_type3A_123 = arith.sitofp %convert_element_type3A_122 : vector<8x128xi32> to vector<8x128xf32>
      %add3A_124 = arith.addf %add3A_117, %convert_element_type3A_123 : vector<8x128xf32>
      %jit3A_125 = arith.constant 0 : i32
      %jit3A_126 = arith.constant 7 : i32
      %convert_element_type3A_127 = arith.sitofp %jit3A_125 : i32 to f32
      %max3A = vector.broadcast %convert_element_type3A_127 : f32 to vector<8x128xf32>
      %max3A_128 = arith.maximumf %max3A, %add3A_124 : vector<8x128xf32>
      %convert_element_type3A_129 = arith.sitofp %jit3A_126 : i32 to f32
      %min3A = vector.broadcast %convert_element_type3A_129 : f32 to vector<8x128xf32>
      %min3A_130 = arith.minimumf %min3A, %max3A_128 : vector<8x128xf32>
      %convert_element_type3A_131 = arith.fptosi %min3A_130 : vector<8x128xf32> to vector<8x128xi32>
      %swap3A_132 = arith.constant 0 : index
      %swap3A_133 = arith.constant 0 : index
      %swap3A_134 = vector.load %arg6[%swap3A_132, %swap3A_133] : memref<8x128xi32, #tpu.memory_space<vmem>>, vector<8x128xi32>
      tpu.vector_store %arg6[%swap3A_132, %swap3A_133], %convert_element_type3A_131 {strides = array<i32>} : memref<8x128xi32, #tpu.memory_space<vmem>>, vector<8x128xi32>,
    } else {
    }
    return
  }
  func.func @transform_0(%arg0: i32) -> (i32, i32) {
    %c0_i32 = arith.constant 0 : i32
    %c0_i32_0 = arith.constant 0 : i32
    %c0_i32_1 = arith.constant 0 : i32
    return %c0_i32, %c0_i32_0 : i32, i32
  }
  func.func @transform_1(%arg0: i32) -> (i32, i32) {
    %c0_i32 = arith.constant 0 : i32
    %c0_i32_0 = arith.constant 0 : i32
    %c0_i32_1 = arith.constant 0 : i32
    return %c0_i32, %c0_i32_0 : i32, i32
  }
  func.func @transform_2(%arg0: i32) -> (i32, i32) {
    %c0_i32 = arith.constant 0 : i32
    %c0_i32_0 = arith.constant 0 : i32
    %c0_i32_1 = arith.constant 0 : i32
    return %c0_i32, %c0_i32_0 : i32, i32
  }
  func.func @transform_3(%arg0: i32) -> (i32, i32) {
    %c0_i32 = arith.constant 0 : i32
    %c0_i32_0 = arith.constant 0 : i32
    %c0_i32_1 = arith.constant 0 : i32
    return %c0_i32, %c0_i32_0 : i32, i32
  }
  func.func @transform_4(%arg0: i32) -> (i32, i32) {
    %c0_i32 = arith.constant 0 : i32
    %c0_i32_0 = arith.constant 0 : i32
    %c0_i32_1 = arith.constant 0 : i32
    return %c0_i32, %c0_i32_0 : i32, i32
  }
  func.func @transform_5(%arg0: i32) -> (i32, i32) {
    %c0_i32 = arith.constant 0 : i32
    %c0_i32_0 = arith.constant 0 : i32
    %c0_i32_1 = arith.constant 0 : i32
    return %c0_i32, %c0_i32_0 : i32, i32
  }
}

module attributes {stable_mosaic.version = 14 : i64} {
  func.func @_p3_body(%arg0: i32, %arg1: memref<16xi32, #tpu.memory_space<smem>>, %arg2: memref<512x1024xf32, #tpu.memory_space<vmem>>, %arg3: memref<512x1024xf32, #tpu.memory_space<vmem>>, %arg4: memref<1x1024x1024xf32, #tpu.memory_space<vmem>>, %arg5: memref<1x512x1024xf32, #tpu.memory_space<vmem>>, %arg6: memref<1024x512xf32, #tpu.memory_space<vmem>>, %arg7: memref<1024x512xf32, #tpu.memory_space<vmem>>, %arg8: memref<512x1024xf32, #tpu.memory_space<vmem>>, %arg9: memref<512x1024xf32, #tpu.memory_space<vmem>>, %arg10: memref<512x1024xf32, #tpu.memory_space<vmem>>) attributes {dimension_semantics = [#tpu.dimension_semantics<arbitrary>], iteration_bounds = array<i64: 24>, scalar_prefetch = 1 : i64, scratch_operands = 0 : i64, tpu.core_type = #tpu.core_type<tc>, window_params = [{transform_indices = @transform_0, window_bounds = array<i64: 512, 1024>}, {transform_indices = @transform_1, window_bounds = array<i64: 512, 1024>}, {transform_indices = @transform_2, window_bounds = array<i64: 1, 1024, 1024>}, {transform_indices = @transform_3, window_bounds = array<i64: 1, 512, 1024>}, {transform_indices = @transform_4, window_bounds = array<i64: 1024, 512>}, {transform_indices = @transform_5, window_bounds = array<i64: 1024, 512>}, {transform_indices = @transform_6, window_bounds = array<i64: 512, 1024>}, {transform_indices = @transform_7, window_bounds = array<i64: 512, 1024>}, {transform_indices = @transform_8, window_bounds = array<i64: 512, 1024>}]} {
    %lt3A = arith.constant 16 : i32
    %lt3A_0 = arith.cmpi slt, %arg0, %lt3A : i32
    %convert_element_type3A = arith.extui %lt3A_0 : i1 to i32
    %cond3A = arith.constant 0 : i32
    %cond3A_1 = arith.cmpi ne, %convert_element_type3A, %cond3A : i32
    scf.if %cond3A_1 {
      %get3A = arith.constant 0 : index
      %get3A_6 = arith.constant 0 : index
      %get3A_7 = vector.load %arg2[%get3A, %get3A_6] : memref<512x1024xf32, #tpu.memory_space<vmem>>, vector<512x1024xf32>
      %get3A_8 = arith.constant 0 : index
      %get3A_9 = arith.constant 0 : index
      %get3A_10 = arith.constant 0 : index
      %get3A_11 = vector.load %arg4[%get3A_8, %get3A_9, %get3A_10] : memref<1x1024x1024xf32, #tpu.memory_space<vmem>>, vector<1x1024x1024xf32>
      %get3A_12 = vector.shape_cast %get3A_11 : vector<1x1024x1024xf32> to vector<1024x1024xf32>
      %dot_general3A = arith.constant dense<0.000000e+00> : vector<512x1024xf32>
      %dot_general3A_13 = tpu.matmul %get3A_7, %get3A_12, %dot_general3A {dimension_numbers = #tpu.dot_dimension_numbers<[1], [0], [0], [1], [0, 0, 1, 1], [], []>, transpose_lhs_hint = false} : vector<512x1024xf32>, vector<1024x1024xf32>, vector<512x1024xf32> -> vector<512x1024xf32>
      %slice3A = vector.extract_strided_slice %dot_general3A_13 {offsets = [0, 0], sizes = [512, 512], strides = [1, 1]} : vector<512x1024xf32> to vector<512x512xf32>
      %slice3A_14 = vector.extract_strided_slice %dot_general3A_13 {offsets = [0, 512], sizes = [512, 512], strides = [1, 1]} : vector<512x1024xf32> to vector<512x512xf32>
      %logistic3A = arith.negf %slice3A : vector<512x512xf32>
      %logistic3A_15 = math.exp %logistic3A : vector<512x512xf32>
      %logistic3A_16 = arith.constant 1.000000e+00 : f32
      %logistic3A_17 = vector.broadcast %logistic3A_16 : f32 to vector<512x512xf32>
      %logistic3A_18 = arith.addf %logistic3A_17, %logistic3A_15 : vector<512x512xf32>
      %logistic3A_19 = arith.divf %logistic3A_17, %logistic3A_18 : vector<512x512xf32>
      %mul3A = arith.mulf %slice3A, %logistic3A_19 : vector<512x512xf32>
      %mul3A_20 = arith.mulf %mul3A, %slice3A_14 : vector<512x512xf32>
      %get3A_21 = arith.constant 0 : index
      %get3A_22 = arith.constant 0 : index
      %get3A_23 = arith.constant 0 : index
      %get3A_24 = vector.load %arg5[%get3A_21, %get3A_22, %get3A_23] : memref<1x512x1024xf32, #tpu.memory_space<vmem>>, vector<1x512x1024xf32>
      %get3A_25 = vector.shape_cast %get3A_24 : vector<1x512x1024xf32> to vector<512x1024xf32>
      %dot_general3A_26 = arith.constant dense<0.000000e+00> : vector<512x1024xf32>
      %dot_general3A_27 = tpu.matmul %mul3A_20, %get3A_25, %dot_general3A_26 {dimension_numbers = #tpu.dot_dimension_numbers<[1], [0], [0], [1], [0, 0, 1, 1], [], []>, transpose_lhs_hint = false} : vector<512x512xf32>, vector<512x1024xf32>, vector<512x1024xf32> -> vector<512x1024xf32>
      %swap3A = arith.constant 0 : index
      %swap3A_28 = arith.constant 0 : index
      %swap3A_29 = vector.load %arg9[%swap3A, %swap3A_28] : memref<512x1024xf32, #tpu.memory_space<vmem>>, vector<512x1024xf32>
      tpu.vector_store %arg9[%swap3A, %swap3A_28], %dot_general3A_27 {strides = array<i32>} : memref<512x1024xf32, #tpu.memory_space<vmem>>, vector<512x1024xf32>,
    } else {
    }
    %ge3A = arith.constant 16 : i32
    %ge3A_2 = arith.cmpi sge, %arg0, %ge3A : i32
    %convert_element_type3A_3 = arith.extui %ge3A_2 : i1 to i32
    %cond3A_4 = arith.constant 0 : i32
    %cond3A_5 = arith.cmpi ne, %convert_element_type3A_3, %cond3A_4 : i32
    scf.if %cond3A_5 {
      %sub3A = arith.constant 16 : i32
      %sub3A_6 = arith.subi %arg0, %sub3A : i32
      %jit3A = arith.constant 2 : i32
      %eq3A = arith.constant 0 : i32
      %eq3A_7 = arith.cmpi eq, %jit3A, %eq3A : i32
      %jit3A_8 = arith.constant 1 : i32
      %select_n3A = arith.select %eq3A_7, %jit3A_8, %jit3A : i32
      %rem3A = arith.remsi %sub3A_6, %select_n3A : i32
      %ne3A = arith.constant 0 : i32
      %ne3A_9 = arith.cmpi ne, %rem3A, %ne3A : i32
      %lt3A_10 = arith.constant 0 : i32
      %lt3A_11 = arith.cmpi slt, %rem3A, %lt3A_10 : i32
      %lt3A_12 = arith.constant 0 : i32
      %lt3A_13 = arith.cmpi slt, %select_n3A, %lt3A_12 : i32
      %ne3A_14 = arith.xori %lt3A_11, %lt3A_13 : i1
      %and3A = arith.andi %ne3A_14, %ne3A_9 : i1
      %add3A = arith.addi %rem3A, %select_n3A : i32
      %select_n3A_15 = arith.select %and3A, %add3A, %rem3A : i32
      %get3A = arith.constant 0 : index
      %get3A_16 = arith.constant 0 : index
      %get3A_17 = vector.load %arg3[%get3A, %get3A_16] : memref<512x1024xf32, #tpu.memory_space<vmem>>, vector<512x1024xf32>
      %get3A_18 = arith.constant 0 : index
      %get3A_19 = arith.constant 0 : index
      %get3A_20 = vector.load %arg6[%get3A_18, %get3A_19] : memref<1024x512xf32, #tpu.memory_space<vmem>>, vector<1024x512xf32>
      %dot_general3A = arith.constant dense<0.000000e+00> : vector<512x512xf32>
      %dot_general3A_21 = tpu.matmul %get3A_17, %get3A_20, %dot_general3A {dimension_numbers = #tpu.dot_dimension_numbers<[1], [0], [0], [1], [0, 0, 1, 1], [], []>, transpose_lhs_hint = false} : vector<512x1024xf32>, vector<1024x512xf32>, vector<512x512xf32> -> vector<512x512xf32>
      %get3A_22 = arith.constant 0 : index
      %get3A_23 = arith.constant 0 : index
      %get3A_24 = vector.load %arg7[%get3A_22, %get3A_23] : memref<1024x512xf32, #tpu.memory_space<vmem>>, vector<1024x512xf32>
      %dot_general3A_25 = arith.constant dense<0.000000e+00> : vector<512x512xf32>
      %dot_general3A_26 = tpu.matmul %get3A_17, %get3A_24, %dot_general3A_25 {dimension_numbers = #tpu.dot_dimension_numbers<[1], [0], [0], [1], [0, 0, 1, 1], [], []>, transpose_lhs_hint = false} : vector<512x1024xf32>, vector<1024x512xf32>, vector<512x512xf32> -> vector<512x512xf32>
      %logistic3A = arith.negf %dot_general3A_21 : vector<512x512xf32>
      %logistic3A_27 = math.exp %logistic3A : vector<512x512xf32>
      %logistic3A_28 = arith.constant 1.000000e+00 : f32
      %logistic3A_29 = vector.broadcast %logistic3A_28 : f32 to vector<512x512xf32>
      %logistic3A_30 = arith.addf %logistic3A_29, %logistic3A_27 : vector<512x512xf32>
      %logistic3A_31 = arith.divf %logistic3A_29, %logistic3A_30 : vector<512x512xf32>
      %mul3A = arith.mulf %dot_general3A_21, %logistic3A_31 : vector<512x512xf32>
      %mul3A_32 = arith.mulf %mul3A, %dot_general3A_26 : vector<512x512xf32>
      %get3A_33 = arith.constant 0 : index
      %get3A_34 = arith.constant 0 : index
      %get3A_35 = vector.load %arg8[%get3A_33, %get3A_34] : memref<512x1024xf32, #tpu.memory_space<vmem>>, vector<512x1024xf32>
      %dot_general3A_36 = arith.constant dense<0.000000e+00> : vector<512x1024xf32>
      %dot_general3A_37 = tpu.matmul %mul3A_32, %get3A_35, %dot_general3A_36 {dimension_numbers = #tpu.dot_dimension_numbers<[1], [0], [0], [1], [0, 0, 1, 1], [], []>, transpose_lhs_hint = false} : vector<512x512xf32>, vector<512x1024xf32>, vector<512x1024xf32> -> vector<512x1024xf32>
      %eq3A_38 = arith.constant 0 : i32
      %eq3A_39 = arith.cmpi eq, %select_n3A_15, %eq3A_38 : i32
      %convert_element_type3A_40 = arith.extui %eq3A_39 : i1 to i32
      %cond3A_41 = arith.constant 0 : i32
      %cond3A_42 = arith.cmpi ne, %convert_element_type3A_40, %cond3A_41 : i32
      scf.if %cond3A_42 {
        %swap3A = arith.constant 0 : index
        %swap3A_48 = arith.constant 0 : index
        %swap3A_49 = vector.load %arg10[%swap3A, %swap3A_48] : memref<512x1024xf32, #tpu.memory_space<vmem>>, vector<512x1024xf32>
        tpu.vector_store %arg10[%swap3A, %swap3A_48], %dot_general3A_37 {strides = array<i32>} : memref<512x1024xf32, #tpu.memory_space<vmem>>, vector<512x1024xf32>,
      } else {
      }
      %eq3A_43 = arith.constant 1 : i32
      %eq3A_44 = arith.cmpi eq, %select_n3A_15, %eq3A_43 : i32
      %convert_element_type3A_45 = arith.extui %eq3A_44 : i1 to i32
      %cond3A_46 = arith.constant 0 : i32
      %cond3A_47 = arith.cmpi ne, %convert_element_type3A_45, %cond3A_46 : i32
      scf.if %cond3A_47 {
        %get3A_48 = arith.constant 0 : index
        %get3A_49 = arith.constant 0 : index
        %get3A_50 = vector.load %arg10[%get3A_48, %get3A_49] : memref<512x1024xf32, #tpu.memory_space<vmem>>, vector<512x1024xf32>
        %add3A_51 = arith.addf %get3A_50, %dot_general3A_37 : vector<512x1024xf32>
        %swap3A = arith.constant 0 : index
        %swap3A_52 = arith.constant 0 : index
        %swap3A_53 = vector.load %arg10[%swap3A, %swap3A_52] : memref<512x1024xf32, #tpu.memory_space<vmem>>, vector<512x1024xf32>
        tpu.vector_store %arg10[%swap3A, %swap3A_52], %add3A_51 {strides = array<i32>} : memref<512x1024xf32, #tpu.memory_space<vmem>>, vector<512x1024xf32>,
      } else {
      }
    } else {
    }
    return
  }
  func.func @transform_0(%arg0: i32, %arg1: memref<16xi32, #tpu.memory_space<smem>>) -> (i32, i32) {
    %min3A = arith.constant 15 : i32
    %min3A_0 = arith.minsi %arg0, %min3A : i32
    %c0_i32 = arith.constant 0 : i32
    %c0_i32_1 = arith.constant 0 : i32
    return %min3A_0, %c0_i32 : i32, i32
  }
  func.func @transform_1(%arg0: i32, %arg1: memref<16xi32, #tpu.memory_space<smem>>) -> (i32, i32) {
    %sub3A = arith.constant 16 : i32
    %sub3A_0 = arith.subi %arg0, %sub3A : i32
    %jit3A = arith.constant 0 : i32
    %jit3A_1 = arith.constant 7 : i32
    %max3A = arith.maxsi %jit3A, %sub3A_0 : i32
    %min3A = arith.minsi %jit3A_1, %max3A : i32
    %jit3A_2 = arith.constant 2 : i32
    %div3A = arith.divsi %min3A, %jit3A_2 : i32
    %sign3A = arith.constant 0 : i32
    %sign3A_3 = arith.cmpi sgt, %min3A, %sign3A : i32
    %sign3A_4 = arith.extui %sign3A_3 : i1 to i32
    %sign3A_5 = arith.constant 0 : i32
    %sign3A_6 = arith.cmpi slt, %min3A, %sign3A_5 : i32
    %sign3A_7 = arith.extui %sign3A_6 : i1 to i32
    %sign3A_8 = arith.subi %sign3A_4, %sign3A_7 : i32
    %sign3A_9 = arith.constant 0 : i32
    %sign3A_10 = arith.cmpi sgt, %jit3A_2, %sign3A_9 : i32
    %sign3A_11 = arith.extui %sign3A_10 : i1 to i32
    %sign3A_12 = arith.constant 0 : i32
    %sign3A_13 = arith.cmpi slt, %jit3A_2, %sign3A_12 : i32
    %sign3A_14 = arith.extui %sign3A_13 : i1 to i32
    %sign3A_15 = arith.subi %sign3A_11, %sign3A_14 : i32
    %ne3A = arith.cmpi ne, %sign3A_8, %sign3A_15 : i32
    %rem3A = arith.remsi %min3A, %jit3A_2 : i32
    %ne3A_16 = arith.constant 0 : i32
    %ne3A_17 = arith.cmpi ne, %rem3A, %ne3A_16 : i32
    %and3A = arith.andi %ne3A, %ne3A_17 : i1
    %sub3A_18 = arith.constant 1 : i32
    %sub3A_19 = arith.subi %div3A, %sub3A_18 : i32
    %select_n3A = arith.select %and3A, %sub3A_19, %div3A : i32
    %c0_i32 = arith.constant 0 : i32
    %c0_i32_20 = arith.constant 0 : i32
    return %select_n3A, %c0_i32 : i32, i32
  }
  func.func @transform_2(%arg0: i32, %arg1: memref<16xi32, #tpu.memory_space<smem>>) -> (i32, i32, i32) {
    %min3A = arith.constant 15 : i32
    %min3A_0 = arith.minsi %arg0, %min3A : i32
    %get3A = arith.index_cast %min3A_0 : i32 to index
    %get3A_1 = memref.load %arg1[%get3A] : memref<16xi32, #tpu.memory_space<smem>>
    %c0_i32 = arith.constant 0 : i32
    %c0_i32_2 = arith.constant 0 : i32
    %c0_i32_3 = arith.constant 0 : i32
    return %get3A_1, %c0_i32, %c0_i32_2 : i32, i32, i32
  }
  func.func @transform_3(%arg0: i32, %arg1: memref<16xi32, #tpu.memory_space<smem>>) -> (i32, i32, i32) {
    %min3A = arith.constant 15 : i32
    %min3A_0 = arith.minsi %arg0, %min3A : i32
    %get3A = arith.index_cast %min3A_0 : i32 to index
    %get3A_1 = memref.load %arg1[%get3A] : memref<16xi32, #tpu.memory_space<smem>>
    %c0_i32 = arith.constant 0 : i32
    %c0_i32_2 = arith.constant 0 : i32
    %c0_i32_3 = arith.constant 0 : i32
    return %get3A_1, %c0_i32, %c0_i32_2 : i32, i32, i32
  }
  func.func @transform_4(%arg0: i32, %arg1: memref<16xi32, #tpu.memory_space<smem>>) -> (i32, i32) {
    %sub3A = arith.constant 16 : i32
    %sub3A_0 = arith.subi %arg0, %sub3A : i32
    %jit3A = arith.constant 0 : i32
    %jit3A_1 = arith.constant 7 : i32
    %max3A = arith.maxsi %jit3A, %sub3A_0 : i32
    %min3A = arith.minsi %jit3A_1, %max3A : i32
    %jit3A_2 = arith.constant 2 : i32
    %eq3A = arith.constant 0 : i32
    %eq3A_3 = arith.cmpi eq, %jit3A_2, %eq3A : i32
    %jit3A_4 = arith.constant 1 : i32
    %select_n3A = arith.select %eq3A_3, %jit3A_4, %jit3A_2 : i32
    %rem3A = arith.remsi %min3A, %select_n3A : i32
    %ne3A = arith.constant 0 : i32
    %ne3A_5 = arith.cmpi ne, %rem3A, %ne3A : i32
    %lt3A = arith.constant 0 : i32
    %lt3A_6 = arith.cmpi slt, %rem3A, %lt3A : i32
    %lt3A_7 = arith.constant 0 : i32
    %lt3A_8 = arith.cmpi slt, %select_n3A, %lt3A_7 : i32
    %ne3A_9 = arith.xori %lt3A_6, %lt3A_8 : i1
    %and3A = arith.andi %ne3A_9, %ne3A_5 : i1
    %add3A = arith.addi %rem3A, %select_n3A : i32
    %select_n3A_10 = arith.select %and3A, %add3A, %rem3A : i32
    %c0_i32 = arith.constant 0 : i32
    %c0_i32_11 = arith.constant 0 : i32
    return %c0_i32, %select_n3A_10 : i32, i32
  }
  func.func @transform_5(%arg0: i32, %arg1: memref<16xi32, #tpu.memory_space<smem>>) -> (i32, i32) {
    %sub3A = arith.constant 16 : i32
    %sub3A_0 = arith.subi %arg0, %sub3A : i32
    %jit3A = arith.constant 0 : i32
    %jit3A_1 = arith.constant 7 : i32
    %max3A = arith.maxsi %jit3A, %sub3A_0 : i32
    %min3A = arith.minsi %jit3A_1, %max3A : i32
    %jit3A_2 = arith.constant 2 : i32
    %eq3A = arith.constant 0 : i32
    %eq3A_3 = arith.cmpi eq, %jit3A_2, %eq3A : i32
    %jit3A_4 = arith.constant 1 : i32
    %select_n3A = arith.select %eq3A_3, %jit3A_4, %jit3A_2 : i32
    %rem3A = arith.remsi %min3A, %select_n3A : i32
    %ne3A = arith.constant 0 : i32
    %ne3A_5 = arith.cmpi ne, %rem3A, %ne3A : i32
    %lt3A = arith.constant 0 : i32
    %lt3A_6 = arith.cmpi slt, %rem3A, %lt3A : i32
    %lt3A_7 = arith.constant 0 : i32
    %lt3A_8 = arith.cmpi slt, %select_n3A, %lt3A_7 : i32
    %ne3A_9 = arith.xori %lt3A_6, %lt3A_8 : i1
    %and3A = arith.andi %ne3A_9, %ne3A_5 : i1
    %add3A = arith.addi %rem3A, %select_n3A : i32
    %select_n3A_10 = arith.select %and3A, %add3A, %rem3A : i32
    %add3A_11 = arith.constant 2 : i32
    %add3A_12 = arith.addi %add3A_11, %select_n3A_10 : i32
    %c0_i32 = arith.constant 0 : i32
    %c0_i32_13 = arith.constant 0 : i32
    return %c0_i32, %add3A_12 : i32, i32
  }
  func.func @transform_6(%arg0: i32, %arg1: memref<16xi32, #tpu.memory_space<smem>>) -> (i32, i32) {
    %sub3A = arith.constant 16 : i32
    %sub3A_0 = arith.subi %arg0, %sub3A : i32
    %jit3A = arith.constant 0 : i32
    %jit3A_1 = arith.constant 7 : i32
    %max3A = arith.maxsi %jit3A, %sub3A_0 : i32
    %min3A = arith.minsi %jit3A_1, %max3A : i32
    %jit3A_2 = arith.constant 2 : i32
    %eq3A = arith.constant 0 : i32
    %eq3A_3 = arith.cmpi eq, %jit3A_2, %eq3A : i32
    %jit3A_4 = arith.constant 1 : i32
    %select_n3A = arith.select %eq3A_3, %jit3A_4, %jit3A_2 : i32
    %rem3A = arith.remsi %min3A, %select_n3A : i32
    %ne3A = arith.constant 0 : i32
    %ne3A_5 = arith.cmpi ne, %rem3A, %ne3A : i32
    %lt3A = arith.constant 0 : i32
    %lt3A_6 = arith.cmpi slt, %rem3A, %lt3A : i32
    %lt3A_7 = arith.constant 0 : i32
    %lt3A_8 = arith.cmpi slt, %select_n3A, %lt3A_7 : i32
    %ne3A_9 = arith.xori %lt3A_6, %lt3A_8 : i1
    %and3A = arith.andi %ne3A_9, %ne3A_5 : i1
    %add3A = arith.addi %rem3A, %select_n3A : i32
    %select_n3A_10 = arith.select %and3A, %add3A, %rem3A : i32
    %c0_i32 = arith.constant 0 : i32
    %c0_i32_11 = arith.constant 0 : i32
    return %select_n3A_10, %c0_i32 : i32, i32
  }
  func.func @transform_7(%arg0: i32, %arg1: memref<16xi32, #tpu.memory_space<smem>>) -> (i32, i32) {
    %min3A = arith.constant 15 : i32
    %min3A_0 = arith.minsi %arg0, %min3A : i32
    %c0_i32 = arith.constant 0 : i32
    %c0_i32_1 = arith.constant 0 : i32
    return %min3A_0, %c0_i32 : i32, i32
  }
  func.func @transform_8(%arg0: i32, %arg1: memref<16xi32, #tpu.memory_space<smem>>) -> (i32, i32) {
    %sub3A = arith.constant 16 : i32
    %sub3A_0 = arith.subi %arg0, %sub3A : i32
    %jit3A = arith.constant 0 : i32
    %jit3A_1 = arith.constant 7 : i32
    %max3A = arith.maxsi %jit3A, %sub3A_0 : i32
    %min3A = arith.minsi %jit3A_1, %max3A : i32
    %jit3A_2 = arith.constant 2 : i32
    %div3A = arith.divsi %min3A, %jit3A_2 : i32
    %sign3A = arith.constant 0 : i32
    %sign3A_3 = arith.cmpi sgt, %min3A, %sign3A : i32
    %sign3A_4 = arith.extui %sign3A_3 : i1 to i32
    %sign3A_5 = arith.constant 0 : i32
    %sign3A_6 = arith.cmpi slt, %min3A, %sign3A_5 : i32
    %sign3A_7 = arith.extui %sign3A_6 : i1 to i32
    %sign3A_8 = arith.subi %sign3A_4, %sign3A_7 : i32
    %sign3A_9 = arith.constant 0 : i32
    %sign3A_10 = arith.cmpi sgt, %jit3A_2, %sign3A_9 : i32
    %sign3A_11 = arith.extui %sign3A_10 : i1 to i32
    %sign3A_12 = arith.constant 0 : i32
    %sign3A_13 = arith.cmpi slt, %jit3A_2, %sign3A_12 : i32
    %sign3A_14 = arith.extui %sign3A_13 : i1 to i32
    %sign3A_15 = arith.subi %sign3A_11, %sign3A_14 : i32
    %ne3A = arith.cmpi ne, %sign3A_8, %sign3A_15 : i32
    %rem3A = arith.remsi %min3A, %jit3A_2 : i32
    %ne3A_16 = arith.constant 0 : i32
    %ne3A_17 = arith.cmpi ne, %rem3A, %ne3A_16 : i32
    %and3A = arith.andi %ne3A, %ne3A_17 : i1
    %sub3A_18 = arith.constant 1 : i32
    %sub3A_19 = arith.subi %div3A, %sub3A_18 : i32
    %select_n3A = arith.select %and3A, %sub3A_19, %div3A : i32
    %c0_i32 = arith.constant 0 : i32
    %c0_i32_20 = arith.constant 0 : i32
    return %select_n3A, %c0_i32 : i32, i32
  }
}

</mosaic_0001>

<sc_bundles>
// kernel: kernel.10.cloned.1.call-start
scs
__scs_entry_jumppad:
0x0: {  	(pc) =	sbr.rel $0x88, $3  }
0x1: {  	(tag) =	ssettag $0x0;
	lr =	simm.s32 $0x1  }
0x2: {  	[smem:$0x3F9A] =	sst lr;
	_ =	strace $0xD0000000  }
0x3: {  	_ = 	snop  }
0x4: {  	_ = 	snop  }
0x5: {  	_ = 	snop  }
0x6: {  	_ = 	snop  }
0x7: {  	_ = 	snop  }
__scs_overlays_trampoline_lowered:
0x8: {  	[smem:$0x3FA9] =	sst s0  }
0x9: {  	[smem:$0x3FAA] =	sst s1  }
0xa: {  	[smem:$0x3FAB] =	sst s2  }
0xb: {  	[smem:$0x3FAC] =	sst s3  }
0xc: {  	[smem:$0x3FAD] =	sst s4  }
0xd: {  	[smem:$0x3FAE] =	sst s5  }
0xe: {  	[smem:$0x3FAF] =	sst s6  }
0xf: {  	[smem:$0x3FB0] =	sst s7  }
0x10: {  	[smem:$0x3FB1] =	sst s8  }
0x11: {  	[smem:$0x3FB2] =	sst s9;
	s0 =	simm.s32 @!p0 $0x0  }
0x12: {  	s1 =	sld [smem:$0x3F98];
	s0 =	simm.s32 @p0 $0x1  }
0x13: {  	[smem:$0x3FB3] =	sst s0;
	s0 =	simm.s32 @!p1 $0x0  }
0x14: {  	s2 =	sld [smem:$0x3F97];
	s0 =	simm.s32 @p1 $0x1  }
0x15: {  	[smem:$0x3FB4] =	sst s0;
	s0 =	simm.s32 @!p2 $0x0  }
0x16: {  	s3 =	sld [smem:$0x3FDB];
	s0 =	simm.s32 @p2 $0x1  }
0x17: {  	s4 =	simm.s32 $0x1BF5;
	[smem:$0x3FB6] =	sst s0  }
0x18: {  	s0 =	sld [smem:$0x3F99];
	_ =	swait.ge [sflag:s4], $0x0  }
0x19: {  	s7 =	sld [smem:$0x3F9A]  }
0x1a: {  	s8 =	sadd.s32 $0xFFFFE003, lr  }
0x1b: {  	s9 =	sadd.s32 $0xFFFFFEF7, lr;
	s5 =	simm.s32 $0xFFFFFFFF;
	p2 =	slt.u32 s8, $0xFFFFF086  }
0x1c: {  	p1 =	slt.u32 s9, $0xF7A;
	s5 =	simm.s32 @!p2 $0x0  }
0x1d: {  	s5 =	simm.s32 @p1 $0x1;
	p0 =	seq.s32 s7, s2  }
0x1e: {  	s7 =	smul.u32 @!p0 $0xF7A, s2;
	p2 =	seq.s32 @!p0 s5, $0x0  }
0x1f: {  	s9 =	smul.u32 $0xF7A, s1;
	s8 =	simm.s32 @!p0 $0x1BF5;
	p2 =	por !p2, p0  }
0x20: {  	[sflag:s8] =	ssyncset.s32 @!p0 $0xFFFFF086;
	s6 =	sadd.s32 @!p0 s3, s7;
	s7 =	simm.s32 @!p0 $0x108  }
0x21: {  	s3 =	sadd.s32 s3, s9;
	s6 =	sadd.s32 @!p0 $0x88, s6;
	s7 =	simm.s32 @p2 $0x1082  }
0x22: {  	[simem:s7], [sflag:s8] =	dma.local @!p0 [hbm:s6], $0xF7A  }
0x23: {  	s9 =	sor.u32 $0xD0000000, s2;
	s6 =	simm.s32 $0x108;
	_ =	swait.ge @!p0 [sflag:s8], $0x0  }
0x24: {  	s3 =	sadd.s32 $0x88, s3;
	s6 =	simm.s32 @!p1 $0x1082;
	[sflag:s4] =	ssyncset.s32 $0xFFFFF086  }
0x25: {  	[simem:s6], [sflag:s4] =	dma.local [hbm:s3], $0xF7A  }
0x26: {  	[smem:$0x3F9A] =	sst s1;
	(tag) =	ssettag s2;
	_ =	strace s9  }
0x27: {  	s1 =	sld [smem:$0x3FAA]  }
0x28: {  	s2 =	sld [smem:$0x3FAB]  }
0x29: {  	s4 =	sld [smem:$0x3FAD]  }
0x2a: {  	p0 =	seq.s32 s5, $0x0;
	s5 =	sld [smem:$0x3FAE]  }
0x2b: {  	s6 =	sld [smem:$0x3FAF]  }
0x2c: {  	s7 =	sld [smem:$0x3FB0]  }
0x2d: {  	s3 =	simm.s32 $0x108;
	s8 =	sld [smem:$0x3FB1]  }
0x2e: {  	s3 =	simm.s32 @!p0 $0x1082;
	s9 =	sld [smem:$0x3FB2]  }
0x2f: {  	lr =	sadd.s32 s0, s3;
	s0 =	sld [smem:$0x3FA9]  }
0x30: {  	s3 =	sld [smem:$0x3FAC]  }
0x31: {  	[smem:$0x3FB5] =	sst s10  }
0x32: {  	s10 =	sld [smem:$0x3FB3];
	_ =	sdelay $0x3  }
0x33: {  	p0 =	seq.s32 s10, $0x1;
	s10 =	sld [smem:$0x3FB5];
	_ =	sdelay $0x3  }
0x34: {  	[smem:$0x3FB5] =	sst s10  }
0x35: {  	s10 =	sld [smem:$0x3FB4];
	_ =	sdelay $0x3  }
0x36: {  	p1 =	seq.s32 s10, $0x1;
	s10 =	sld [smem:$0x3FB5];
	_ =	sdelay $0x3  }
0x37: {  	[smem:$0x3FB5] =	sst s10  }
0x38: {  	s10 =	sld [smem:$0x3FB6]  }
0x39: {  	_ = 	snop;
	(pc) =	sbr.ind lr, $3  }
0x3a: {  	_ = 	snop  }
0x3b: {  	_ = 	snop  }
0x3c: {  	p2 =	seq.s32 s10, $0x1;
	s10 =	sld [smem:$0x3FB5]  }
0x3d: {  	_ =	shalt  }
0x3e: {  	_ =	shalt  }
0x3f: {  	_ =	shalt  }
0x40: {  	_ =	shalt  }
0x41: {  	_ =	shalt  }
0x42: {  	_ =	shalt  }
0x43: {  	_ =	shalt  }
0x44: {  	_ =	shalt  }
0x45: {  	_ =	shalt  }
0x46: {  	_ =	shalt  }
0x47: {  	_ =	shalt  }
0x48: {  	_ =	shalt  }
0x49: {  	_ =	shalt  }
0x4a: {  	_ =	shalt  }
0x4b: {  	_ =	shalt  }
0x4c: {  	_ =	shalt  }
0x4d: {  	_ =	shalt  }
0x4e: {  	_ =	shalt  }
0x4f: {  	_ =	shalt  }
0x50: {  	_ =	shalt  }
0x51: {  	_ =	shalt  }
0x52: {  	_ =	shalt  }
0x53: {  	_ =	shalt  }
0x54: {  	_ =	shalt  }
0x55: {  	_ =	shalt  }
0x56: {  	_ =	shalt  }
0x57: {  	_ =	shalt  }
0x58: {  	_ =	shalt  }
0x59: {  	_ =	shalt  }
0x5a: {  	_ =	shalt  }
0x5b: {  	_ =	shalt  }
0x5c: {  	_ =	shalt  }
0x5d: {  	_ =	shalt  }
0x5e: {  	_ =	shalt  }
0x5f: {  	_ =	shalt  }
0x60: {  	_ =	shalt  }
0x61: {  	_ =	shalt  }
0x62: {  	_ =	shalt  }
0x63: {  	_ =	shalt  }
0x64: {  	_ =	shalt  }
0x65: {  	_ =	shalt  }
0x66: {  	_ =	shalt  }
0x67: {  	_ =	shalt  }
0x68: {  	_ =	shalt  }
0x69: {  	_ =	shalt  }
0x6a: {  	_ =	shalt  }
0x6b: {  	_ =	shalt  }
0x6c: {  	_ =	shalt  }
0x6d: {  	_ =	shalt  }
0x6e: {  	_ =	shalt  }
0x6f: {  	_ =	shalt  }
0x70: {  	_ =	shalt  }
0x71: {  	_ =	shalt  }
0x72: {  	_ =	shalt  }
0x73: {  	_ =	shalt  }
0x74: {  	_ =	shalt  }
0x75: {  	_ =	shalt  }
0x76: {  	_ =	shalt  }
0x77: {  	_ =	shalt  }
0x78: {  	_ =	shalt  }
0x79: {  	_ =	shalt  }
0x7a: {  	_ =	shalt  }
0x7b: {  	_ =	shalt  }
0x7c: {  	_ =	shalt  }
0x7d: {  	_ =	shalt  }
0x7e: {  	_ =	shalt  }
0x7f: {  	_ =	shalt  }
0x80: {  	_ =	shalt  }
0x81: {  	_ =	shalt  }
0x82: {  	_ =	shalt  }
0x83: {  	_ =	shalt  }
0x84: {  	_ =	shalt  }
0x85: {  	_ =	shalt  }
0x86: {  	_ =	shalt  }
0x87: {  	_ =	shalt  }
.Lfunc_end0:
.L_simem_size_0:
called_computation.1_lowered:
.L_overlay_start_0:
0x88: {  	s2 =	sld [smem:$0x3FD9]  }
0x89: {  	s3 =	sld [smem:$0x3FFE];
	_ =	sdelay $0x1  }
0x8a: {  	s1 =	srdreg.scid  }
0x8b: {  	s0 =	sand.u32 $0x1, s1  }
0x8c: {  	s16 =	sshll.u32 s0, $0xA;
	s2 =	sadd.s32 s3, s2  }
0x8d: {  	s2 =	sadd.s32 s2, s16  }
0x8e: {  	[smem:$0x3FC1] =	sst s2  }
0x8f: {  	_ = 	snop  }
0x90: {  	(tm) =	ssettm $0x1  }
0x91: {  	s17 =	sld [smem:$0x3FFB];
	_ =	sdelay $0x3  }
0x92: {  	_ =	strace s17  }
0x93: {  	s2 =	sld [smem:$0x3FFC];
	_ =	sdelay $0x3  }
0x94: {  	_ =	strace s2  }
0x95: {  	s2 =	sld [smem:$0x3FFD];
	_ =	sdelay $0x3  }
0x96: {  	_ =	strace s2  }
0x97: {  	_ =	strace $0x8FFFFFFF  }
0x98: {  	s18 =	sld [smem:$0x3FDB];
	_ =	sdelay $0x1  }
0x99: {  	s19 =	simm.s32 $_scs_section_size  }
0x9a: {  	s4 =	simm.s32 $_size__tile_overlayer_lowered;
	s5 =	simm.s32 $_tile_overlayer_lowered  }
0x9b: {  	s22 =	simm.s32 $0x1BFF;
	s21 =	sshll.u32 s5, $0x1;
	s2 =	sadd.s32 s19, s18  }
0x9c: {  	s6 =	simm.s32 $0x0;
	s20 =	sshll.u32 s4, $0x1;
	s4 =	sadd.s32 s21, s2  }
0x9d: {  	[timem:s6], [sflag:s22] =	dma.local [hbm:s4], s20  }
0x9e: {  	_ =	swait.ge [sflag:s22], s20  }
0x9f: {  	s3 =	ssub.s32 $0x0, s20;
	[sflag:s22] =	ssyncset.done $0x0  }
0xa0: {  	[sflag:s22] =	ssyncadd.s32 s3;
	_ =	sdelay $0x1  }
0xa1: {  	s23 =	simm.s32 $0x1B8B  }
0xa2: {  	_ =	swait.ge [sflag:s23], $0x1  }
0xa3: {  	[sflag:s23] =	ssyncset.done $0x0  }
0xa4: {  	s25 =	simm.s32 $0x1B8E;
	s24 =	sld [smem:$0x3FFE];
	[sflag:s23] =	ssyncadd.s32 $0xFFFFFFFF  }
0xa5: {  	s26 =	simm.s32 $execute0_lowered;
	[smem:$0x3FD2] =	sst s25  }
0xa6: {  	s4 =	sshll.u32 s26, $0x1;
	_ =	strace $0x80000049;
	[dreg:$0x1] =	wrdreg $0xFFFFFFFF  }
0xa7: {  	s28 =	simm.s32 $_size_execute0_lowered;
	s2 =	sadd.s32 s2, s4;
	[dreg:$0x0] =	wrdreg $0x0  }
0xa8: {  	s4 =	sshll.u32 s28, $0x1;
	[dreg:$0x2] =	wrdreg s2  }
0xa9: {  	[dreg:$0x3] =	wrdreg s4  }
0xaa: {  	[dreg:$0x4] =	wrdreg $0xC0  }
0xab: {  	_ =	task [dreg:s6], $0x5FFFF  }
0xac: {  	[dreg:$0x1] =	wrdreg $0xFFFFFFFF  }
0xad: {  	[dreg:$0x0] =	wrdreg $0x60  }
0xae: {  	[dreg:$0x2] =	wrdreg s24  }
0xaf: {  	[dreg:$0x3] =	wrdreg $0x9  }
0xb0: {  	_ =	task.clear_ibuf [dreg:s6], $0x4FFFF;
	_ =	strace $0x90000049  }
0xb1: {  	s29 =	simm.s32 $0x9;
	_ =	strace $0x8000004B  }
0xb2: {  	_ =	swait.ge [sflag:s29], $0x1  }
0xb3: {  	[sflag:s29] =	ssyncadd.s32 $0xFFFFFFFF  }
0xb4: {  	_ =	strace $0x9000004B  }
0xb5: {  	_ =	sfence  }
0xb6: {  	s30 =	sld [smem:$0x0];
	_ =	sdelay $0x2  }
0xb7: {  	s31 =	sshll.u32 s1, $0xD;
	s1 =	sshrl.u32 s1, $0x2  }
0xb8: {  	s3 =	sand.u32 $0x4000, s31;
	s1 =	sadd.s32 s1, s30  }
0xb9: {  	s0 =	sor.u32 s3, s0;
	s1 =	sshll.u32 s1, $0x11  }
0xba: {  	s0 =	sor.u32 s1, s0  }
0xbb: {  	s0 =	sadd.s32 $0x8F2B, s0  }
0xbc: {  	[sflag:s0] =	ssyncadd.remote.s32 $0x1  }
0xbd: {  	_ =	sfence.sel $0xFFFF  }
0xbe: {  	[dreg:$0x0] =	wrdreg $0xFFFFFFFF;
	(pc) =	sbr.abs _section_cstart, $3  }
0xbf: {  	[dreg:$0x1] =	wrdreg $0xFFFFFFFF  }
0xc0: {  	_ =	task.clear_ibuf [dreg:s6], $0x2FFFF;
	_ =	strace $0x9FFFFFFF  }
0xc1: {  	(tm) =	ssettm $0x7FFFFFFF  }
tec
execute0_lowered:
.L_overlay_start_1:
0x0: {  	(tag) =	ssettag $0x1  }
0x1: {  	s0 =	rddreg [dreg:$0x0];
	s2 =	simm.s32 $0x0;
	s3 =	srdreg.scid  }
0x2: {  	s1 =	stileid.u32;
	s28 =	simm.s32 $0x6800;
	s29 =	simm.s32 $0x7000  }
0x3: {  	s30 =	simm.s32 $0x7800;
	s31 =	simm.s32 $0x1;
	[smem:$0x7FF] =	sst s2  }
0x4: {  	s4 =	sand.u32 $0x1, s3;
	s5 =	sshll.u32 s1, $0x7;
	s3 =	sadd.s32 $0x10CA00, s0  }
0x5: {  	s7 =	sadd.s32 $0xA00, s0;
	s9 =	sadd.s32 $0x800, s0;
	s10 =	sadd.s32 $0xCA00, s0  }
0x6: {  	s11 =	sadd.s32 $0x4CA00, s0;
	s6 =	sshll.u32 s4, $0x6;
	s4 =	ssub.s32 $0x2, s4  }
0x7: {  	_ =	strace $0x8000004A;
	s8 =	sor.u32 s6, s5;
	s12 =	sshrl.u32 s4, $0x1  }
0x8: {  	s6 =	sadd.s32 $0x10CD00, s0;
	s5 =	sshrl.u32 s8, $0x3;
	s12 =	ssub.s32 s4, s12  }
0x9: {  	s1 =	sshll.u32 s8, $0x7;
	s4 =	sadd.s32 $0x10CB00, s0;
	s13 =	sor.u32 $0x10, s8  }
0xa: {  	s19 =	sor.u32 $0x20, s8;
	s8 =	sor.u32 $0x30, s8;
	s26 =	sadd.s32 s7, s5  }
0xb: {  	s5 =	sadd.s32 s9, s5;
	s14 =	sadd.s32 s10, s1;
	[dreg:$0x2] =	wrdreg s26  }
0xc: {  	s15 =	sadd.s32 s11, s1;
	s22 =	sshll.u32 s19, $0x7;
	[dreg:$0x3] =	wrdreg s5  }
0xd: {  	s25 =	sshrl.u32 s8, $0x3;
	[dreg:$0x4] =	wrdreg s14;
	s14 =	sshrl.u32 s13, $0x3  }
0xe: {  	s5 =	sadd.s32 $0x10CC00, s0;
	[dreg:$0x5] =	wrdreg s15;
	s13 =	sshll.u32 s13, $0x7  }
0xf: {  	s15 =	sshrl.u32 s19, $0x3;
	s23 =	sadd.s32 s10, s22;
	s24 =	sadd.s32 s11, s22  }
0x10: {  	s26 =	sshll.u32 s8, $0x7;
	s8 =	sadd.s32 s9, s25;
	s19 =	simm.s32 $0x2800  }
0x11: {  	s22 =	simm.s32 $0x4000;
	s0 =	simm.s32 $0x2;
	s16 =	sadd.s32 s7, s14  }
0x12: {  	s17 =	sadd.s32 s9, s14;
	s18 =	sadd.s32 s10, s13;
	[dreg:$0xc] =	wrdreg s23  }
0x13: {  	s13 =	sadd.s32 s11, s13;
	s20 =	sadd.s32 s7, s15;
	[dreg:$0xd] =	wrdreg s24  }
0x14: {  	s21 =	sadd.s32 s9, s15;
	s7 =	sadd.s32 s7, s25;
	[dreg:$0x6] =	wrdreg s16  }
0x15: {  	s9 =	sadd.s32 s10, s26;
	s10 =	sadd.s32 s11, s26;
	[dreg:$0x7] =	wrdreg s17  }
0x16: {  	s11 =	smax.u32 s12, $0x1;
	s12 =	simm.s32 $0x8000;
	[dreg:$0x8] =	wrdreg s18  }
0x17: {  	s14 =	simm.s32 $0x8080;
	s15 =	simm.s32 $0x800;
	[dreg:$0x9] =	wrdreg s13  }
0x18: {  	s23 =	simm.s32 $0x4800;
	s24 =	simm.s32 $0x5000;
	[dreg:$0xa] =	wrdreg s20  }
0x19: {  	v2 =	vlaneseq.u32;
	s25 =	simm.s32 $0x5800;
	s26 =	simm.s32 $0x6000;
	[dreg:$0xb] =	wrdreg s21  }
0x1a: {  	vm0 =	vmmov $0xffff;
	v1 =	vshrl.u32 v2, $0x3;
	s13 =	simm.s32 $0x3;
	s16 =	simm.s32 $0x1000;
	s17 =	simm.s32 $0x1800  }
0x1b: {  	v0 =	vand.u32 $0x7, v2;
	v2 =	vor.u32 $0x8, v2;
	v1 =	vmul.u32 $0x8, v1;
	s18 =	simm.s32 $0x2000;
	s20 =	simm.s32 $0x3000;
	s21 =	simm.s32 $0x3800  }
.LBB2_1:
0x1c: {  	s1 =	rddreg [dreg:$0x2]  }
0x1d: {  	[tilespmem:s12], [sflag:$0x3] =	stream.linear.gather [hbm4b:s1+s2], $0x10, $0x38;
	[tilespmem:$0x8100] =	vst v63  }
0x1e: {  	_ =	swait.ge [sflag:s13], $0x10  }
0x1f: {  	[sflag:s13] =	ssyncset.done $0x0  }
0x20: {  	s1 =	rddreg [dreg:$0x3];
	[sflag:s13] =	ssyncadd.s32 $0xFFFFFFF0  }
0x21: {  	[tilespmem:s14], [sflag:$0x3] =	stream.linear.gather [hbm4b:s1+s2], $0x10, $0x38;
	[tilespmem:$0x8100] =	vst v63  }
0x22: {  	_ =	swait.ge [sflag:s13], $0x10  }
0x23: {  	[sflag:s13] =	ssyncset.done $0x0  }
0x24: {  	[sflag:s13] =	ssyncadd.s32 $0xFFFFFFF0  }
0x25: {  	v3 =	vld [tilespmem:$0x8000];
	_ =	sdelay $0x4  }
0x26: {  	v4 =	vshll.u32 v3, $0x3  }
0x27: {  	v3 =	vand.u32 $0x7, v3;
	v4 =	vand.u32 $0xFFFFFFC0, v4  }
0x28: {  	v3 =	vor.u32 v3, v4  }
0x29: {  	v4 =	vperm.xlane v3, v0;
	_ =	sdelay $0x1  }
0x2a: {  	v4 =	vadd.s32 v1, v4;
	_ =	sdelay $0x4  }
0x2b: {  	[tilespmem:s2], [sflag:$0x1] =	stream.indirect_vreg.gather [hbm4b:s3+s2], $0x80, v4, vm0, $0xb8;
	[tilespmem:$0x8100] =	vst v63  }
0x2c: {  	v3 =	vperm.xlane v3, v2  }
0x2d: {  	[tilespmem:s15], [sflag:$0x1] =	stream.indirect_vreg.gather [hbm4b:s4+s2], $0x80, v4, vm0, $0xb8;
	[tilespmem:$0x8100] =	vst v63  }
0x2e: {  	v3 =	vadd.s32 v1, v3  }
0x2f: {  	[tilespmem:s16], [sflag:$0x1] =	stream.indirect_vreg.gather [hbm4b:s5+s2], $0x80, v4, vm0, $0xb8;
	[tilespmem:$0x8100] =	vst v63  }
0x30: {  	_ = 	snop  }
0x31: {  	[tilespmem:s17], [sflag:$0x1] =	stream.indirect_vreg.gather [hbm4b:s6+s2], $0x80, v4, vm0, $0xb8;
	[tilespmem:$0x8100] =	vst v63  }
0x32: {  	_ = 	snop  }
0x33: {  	[tilespmem:s18], [sflag:$0x1] =	stream.indirect_vreg.gather [hbm4b:s3+s2], $0x80, v3, vm0, $0xb8;
	[tilespmem:$0x8100] =	vst v63  }
0x34: {  	_ = 	snop  }
0x35: {  	[tilespmem:s19], [sflag:$0x1] =	stream.indirect_vreg.gather [hbm4b:s4+s2], $0x80, v3, vm0, $0xb8;
	[tilespmem:$0x8100] =	vst v63  }
0x36: {  	_ = 	snop  }
0x37: {  	[tilespmem:s20], [sflag:$0x1] =	stream.indirect_vreg.gather [hbm4b:s5+s2], $0x80, v3, vm0, $0xb8;
	[tilespmem:$0x8100] =	vst v63  }
0x38: {  	_ = 	snop  }
0x39: {  	[tilespmem:s21], [sflag:$0x1] =	stream.indirect_vreg.gather [hbm4b:s6+s2], $0x80, v3, vm0, $0xb8;
	[tilespmem:$0x8100] =	vst v63  }
0x3a: {  	v3 =	vld [tilespmem:$0x8080];
	_ =	sdelay $0x4  }
0x3b: {  	v57 =	vshll.u32 v3, $0x3  }
0x3c: {  	v3 =	vand.u32 $0x7, v3;
	v4 =	vand.u32 $0xFFFFFFC0, v57  }
0x3d: {  	v3 =	vor.u32 v3, v4  }
0x3e: {  	v4 =	vperm.xlane v3, v0;
	_ =	sdelay $0x1  }
0x3f: {  	v4 =	vadd.s32 v1, v4;
	_ =	sdelay $0x4  }
0x40: {  	[tilespmem:s22], [sflag:$0x2] =	stream.indirect_vreg.gather [hbm4b:s3+s2], $0x80, v4, vm0, $0xb8;
	[tilespmem:$0x8100] =	vst v63  }
0x41: {  	v3 =	vperm.xlane v3, v2  }
0x42: {  	[tilespmem:s23], [sflag:$0x2] =	stream.indirect_vreg.gather [hbm4b:s4+s2], $0x80, v4, vm0, $0xb8;
	[tilespmem:$0x8100] =	vst v63  }
0x43: {  	v3 =	vadd.s32 v1, v3  }
0x44: {  	[tilespmem:s24], [sflag:$0x2] =	stream.indirect_vreg.gather [hbm4b:s5+s2], $0x80, v4, vm0, $0xb8;
	[tilespmem:$0x8100] =	vst v63  }
0x45: {  	_ = 	snop  }
0x46: {  	[tilespmem:s25], [sflag:$0x2] =	stream.indirect_vreg.gather [hbm4b:s6+s2], $0x80, v4, vm0, $0xb8;
	[tilespmem:$0x8100] =	vst v63  }
0x47: {  	_ = 	snop  }
0x48: {  	[tilespmem:s26], [sflag:$0x2] =	stream.indirect_vreg.gather [hbm4b:s3+s2], $0x80, v3, vm0, $0xb8;
	[tilespmem:$0x8100] =	vst v63  }
0x49: {  	_ = 	snop  }
0x4a: {  	[tilespmem:s28], [sflag:$0x2] =	stream.indirect_vreg.gather [hbm4b:s4+s2], $0x80, v3, vm0, $0xb8;
	[tilespmem:$0x8100] =	vst v63  }
0x4b: {  	_ = 	snop  }
0x4c: {  	[tilespmem:s29], [sflag:$0x2] =	stream.indirect_vreg.gather [hbm4b:s5+s2], $0x80, v3, vm0, $0xb8;
	[tilespmem:$0x8100] =	vst v63  }
0x4d: {  	_ = 	snop  }
0x4e: {  	[tilespmem:s30], [sflag:$0x2] =	stream.indirect_vreg.gather [hbm4b:s6+s2], $0x80, v3, vm0, $0xb8;
	[tilespmem:$0x8100] =	vst v63  }
0x4f: {  	_ =	swait.ge [sflag:s31], $0x4000  }
0x50: {  	[sflag:s31] =	ssyncset.done $0x0  }
0x51: {  	[sflag:s31] =	ssyncadd.s32 $0xFFFFC000  }
0x52: {  	_ =	swait.ge [sflag:s0], $0x4000  }
0x53: {  	[sflag:s0] =	ssyncset.done $0x0  }
0x54: {  	s1 =	rddreg [dreg:$0x4];
	[sflag:s0] =	ssyncadd.s32 $0xFFFFC000  }
0x55: {  	[hbm4b:s1+s2] =	stream.linear.scatter [tilespmem:s2], [sflag:$0x3], $0x4000, $0x38;
	[tilespmem:$0x8100] =	vst v63  }
0x56: {  	_ =	swait.ge [sflag:s13], $0x4000  }
0x57: {  	[sflag:s13] =	ssyncset.done $0x0  }
0x58: {  	s1 =	rddreg [dreg:$0x5];
	[sflag:s13] =	ssyncadd.s32 $0xFFFFC000  }
0x59: {  	[hbm4b:s1+s2] =	stream.linear.scatter [tilespmem:s22], [sflag:$0x3], $0x4000, $0x38;
	[tilespmem:$0x8100] =	vst v63  }
0x5a: {  	_ =	swait.ge [sflag:s13], $0x4000  }
0x5b: {  	[sflag:s13] =	ssyncset.done $0x0  }
0x5c: {  	s1 =	rddreg [dreg:$0x6];
	[sflag:s13] =	ssyncadd.s32 $0xFFFFC000  }
0x5d: {  	[tilespmem:s12], [sflag:$0x3] =	stream.linear.gather [hbm4b:s1+s2], $0x10, $0x38;
	[tilespmem:$0x8100] =	vst v63  }
0x5e: {  	_ =	swait.ge [sflag:s13], $0x10  }
0x5f: {  	[sflag:s13] =	ssyncset.done $0x0  }
0x60: {  	s1 =	rddreg [dreg:$0x7];
	[sflag:s13] =	ssyncadd.s32 $0xFFFFFFF0  }
0x61: {  	[tilespmem:s14], [sflag:$0x3] =	stream.linear.gather [hbm4b:s1+s2], $0x10, $0x38;
	[tilespmem:$0x8100] =	vst v63  }
0x62: {  	_ =	swait.ge [sflag:s13], $0x10  }
0x63: {  	[sflag:s13] =	ssyncset.done $0x0  }
0x64: {  	[sflag:s13] =	ssyncadd.s32 $0xFFFFFFF0  }
0x65: {  	v3 =	vld [tilespmem:$0x8000];
	_ =	sdelay $0x4  }
0x66: {  	v58 =	vshll.u32 v3, $0x3  }
0x67: {  	v3 =	vand.u32 $0x7, v3;
	v4 =	vand.u32 $0xFFFFFFC0, v58  }
0x68: {  	v3 =	vor.u32 v3, v4  }
0x69: {  	v4 =	vperm.xlane v3, v0;
	_ =	sdelay $0x1  }
0x6a: {  	v4 =	vadd.s32 v1, v4;
	_ =	sdelay $0x4  }
0x6b: {  	[tilespmem:s2], [sflag:$0x1] =	stream.indirect_vreg.gather [hbm4b:s3+s2], $0x80, v4, vm0, $0xb8;
	[tilespmem:$0x8100] =	vst v63  }
0x6c: {  	v3 =	vperm.xlane v3, v2  }
0x6d: {  	[tilespmem:s15], [sflag:$0x1] =	stream.indirect_vreg.gather [hbm4b:s4+s2], $0x80, v4, vm0, $0xb8;
	[tilespmem:$0x8100] =	vst v63  }
0x6e: {  	v3 =	vadd.s32 v1, v3  }
0x6f: {  	[tilespmem:s16], [sflag:$0x1] =	stream.indirect_vreg.gather [hbm4b:s5+s2], $0x80, v4, vm0, $0xb8;
	[tilespmem:$0x8100] =	vst v63  }
0x70: {  	_ = 	snop  }
0x71: {  	[tilespmem:s17], [sflag:$0x1] =	stream.indirect_vreg.gather [hbm4b:s6+s2], $0x80, v4, vm0, $0xb8;
	[tilespmem:$0x8100] =	vst v63  }
0x72: {  	_ = 	snop  }
0x73: {  	[tilespmem:s18], [sflag:$0x1] =	stream.indirect_vreg.gather [hbm4b:s3+s2], $0x80, v3, vm0, $0xb8;
	[tilespmem:$0x8100] =	vst v63  }
0x74: {  	_ = 	snop  }
0x75: {  	[tilespmem:s19], [sflag:$0x1] =	stream.indirect_vreg.gather [hbm4b:s4+s2], $0x80, v3, vm0, $0xb8;
	[tilespmem:$0x8100] =	vst v63  }
0x76: {  	_ = 	snop  }
0x77: {  	[tilespmem:s20], [sflag:$0x1] =	stream.indirect_vreg.gather [hbm4b:s5+s2], $0x80, v3, vm0, $0xb8;
	[tilespmem:$0x8100] =	vst v63  }
0x78: {  	_ = 	snop  }
0x79: {  	[tilespmem:s21], [sflag:$0x1] =	stream.indirect_vreg.gather [hbm4b:s6+s2], $0x80, v3, vm0, $0xb8;
	[tilespmem:$0x8100] =	vst v63  }
0x7a: {  	v3 =	vld [tilespmem:$0x8080];
	_ =	sdelay $0x4  }
0x7b: {  	v59 =	vshll.u32 v3, $0x3  }
0x7c: {  	v3 =	vand.u32 $0x7, v3;
	v4 =	vand.u32 $0xFFFFFFC0, v59  }
0x7d: {  	v3 =	vor.u32 v3, v4  }
0x7e: {  	v4 =	vperm.xlane v3, v0;
	_ =	sdelay $0x1  }
0x7f: {  	v4 =	vadd.s32 v1, v4;
	_ =	sdelay $0x4  }
0x80: {  	[tilespmem:s22], [sflag:$0x2] =	stream.indirect_vreg.gather [hbm4b:s3+s2], $0x80, v4, vm0, $0xb8;
	[tilespmem:$0x8100] =	vst v63  }
0x81: {  	v3 =	vperm.xlane v3, v2  }
0x82: {  	[tilespmem:s23], [sflag:$0x2] =	stream.indirect_vreg.gather [hbm4b:s4+s2], $0x80, v4, vm0, $0xb8;
	[tilespmem:$0x8100] =	vst v63  }
0x83: {  	v3 =	vadd.s32 v1, v3  }
0x84: {  	[tilespmem:s24], [sflag:$0x2] =	stream.indirect_vreg.gather [hbm4b:s5+s2], $0x80, v4, vm0, $0xb8;
	[tilespmem:$0x8100] =	vst v63  }
0x85: {  	_ = 	snop  }
0x86: {  	[tilespmem:s25], [sflag:$0x2] =	stream.indirect_vreg.gather [hbm4b:s6+s2], $0x80, v4, vm0, $0xb8;
	[tilespmem:$0x8100] =	vst v63  }
0x87: {  	_ = 	snop  }
0x88: {  	[tilespmem:s26], [sflag:$0x2] =	stream.indirect_vreg.gather [hbm4b:s3+s2], $0x80, v3, vm0, $0xb8;
	[tilespmem:$0x8100] =	vst v63  }
0x89: {  	_ = 	snop  }
0x8a: {  	[tilespmem:s28], [sflag:$0x2] =	stream.indirect_vreg.gather [hbm4b:s4+s2], $0x80, v3, vm0, $0xb8;
	[tilespmem:$0x8100] =	vst v63  }
0x8b: {  	_ = 	snop  }
0x8c: {  	[tilespmem:s29], [sflag:$0x2] =	stream.indirect_vreg.gather [hbm4b:s5+s2], $0x80, v3, vm0, $0xb8;
	[tilespmem:$0x8100] =	vst v63  }
0x8d: {  	_ = 	snop  }
0x8e: {  	[tilespmem:s30], [sflag:$0x2] =	stream.indirect_vreg.gather [hbm4b:s6+s2], $0x80, v3, vm0, $0xb8;
	[tilespmem:$0x8100] =	vst v63  }
0x8f: {  	_ =	swait.ge [sflag:s31], $0x4000  }
0x90: {  	[sflag:s31] =	ssyncset.done $0x0  }
0x91: {  	[sflag:s31] =	ssyncadd.s32 $0xFFFFC000  }
0x92: {  	_ =	swait.ge [sflag:s0], $0x4000  }
0x93: {  	[sflag:s0] =	ssyncset.done $0x0  }
0x94: {  	s1 =	rddreg [dreg:$0x8];
	[sflag:s0] =	ssyncadd.s32 $0xFFFFC000  }
0x95: {  	[hbm4b:s1+s2] =	stream.linear.scatter [tilespmem:s2], [sflag:$0x3], $0x4000, $0x38;
	[tilespmem:$0x8100] =	vst v63  }
0x96: {  	_ =	swait.ge [sflag:s13], $0x4000  }
0x97: {  	[sflag:s13] =	ssyncset.done $0x0  }
0x98: {  	s1 =	rddreg [dreg:$0x9];
	[sflag:s13] =	ssyncadd.s32 $0xFFFFC000  }
0x99: {  	[hbm4b:s1+s2] =	stream.linear.scatter [tilespmem:s22], [sflag:$0x3], $0x4000, $0x38;
	[tilespmem:$0x8100] =	vst v63  }
0x9a: {  	_ =	swait.ge [sflag:s13], $0x4000  }
0x9b: {  	[sflag:s13] =	ssyncset.done $0x0  }
0x9c: {  	s1 =	rddreg [dreg:$0xa];
	[sflag:s13] =	ssyncadd.s32 $0xFFFFC000  }
0x9d: {  	[tilespmem:s12], [sflag:$0x3] =	stream.linear.gather [hbm4b:s1+s2], $0x10, $0x38;
	[tilespmem:$0x8100] =	vst v63  }
0x9e: {  	_ =	swait.ge [sflag:s13], $0x10  }
0x9f: {  	[sflag:s13] =	ssyncset.done $0x0  }
0xa0: {  	s1 =	rddreg [dreg:$0xb];
	[sflag:s13] =	ssyncadd.s32 $0xFFFFFFF0  }
0xa1: {  	[tilespmem:s14], [sflag:$0x3] =	stream.linear.gather [hbm4b:s1+s2], $0x10, $0x38;
	[tilespmem:$0x8100] =	vst v63  }
0xa2: {  	_ =	swait.ge [sflag:s13], $0x10  }
0xa3: {  	[sflag:s13] =	ssyncset.done $0x0  }
0xa4: {  	[sflag:s13] =	ssyncadd.s32 $0xFFFFFFF0  }
0xa5: {  	v3 =	vld [tilespmem:$0x8000];
	_ =	sdelay $0x4  }
0xa6: {  	v60 =	vshll.u32 v3, $0x3  }
0xa7: {  	v3 =	vand.u32 $0x7, v3;
	v4 =	vand.u32 $0xFFFFFFC0, v60  }
0xa8: {  	v3 =	vor.u32 v3, v4  }
0xa9: {  	v4 =	vperm.xlane v3, v0;
	_ =	sdelay $0x1  }
0xaa: {  	v4 =	vadd.s32 v1, v4;
	_ =	sdelay $0x4  }
0xab: {  	[tilespmem:s2], [sflag:$0x1] =	stream.indirect_vreg.gather [hbm4b:s3+s2], $0x80, v4, vm0, $0xb8;
	[tilespmem:$0x8100] =	vst v63  }
0xac: {  	v3 =	vperm.xlane v3, v2  }
0xad: {  	[tilespmem:s15], [sflag:$0x1] =	stream.indirect_vreg.gather [hbm4b:s4+s2], $0x80, v4, vm0, $0xb8;
	[tilespmem:$0x8100] =	vst v63  }
0xae: {  	v3 =	vadd.s32 v1, v3  }
0xaf: {  	[tilespmem:s16], [sflag:$0x1] =	stream.indirect_vreg.gather [hbm4b:s5+s2], $0x80, v4, vm0, $0xb8;
	[tilespmem:$0x8100] =	vst v63  }
0xb0: {  	_ = 	snop  }
0xb1: {  	[tilespmem:s17], [sflag:$0x1] =	stream.indirect_vreg.gather [hbm4b:s6+s2], $0x80, v4, vm0, $0xb8;
	[tilespmem:$0x8100] =	vst v63  }
0xb2: {  	_ = 	snop  }
0xb3: {  	[tilespmem:s18], [sflag:$0x1] =	stream.indirect_vreg.gather [hbm4b:s3+s2], $0x80, v3, vm0, $0xb8;
	[tilespmem:$0x8100] =	vst v63  }
0xb4: {  	_ = 	snop  }
0xb5: {  	[tilespmem:s19], [sflag:$0x1] =	stream.indirect_vreg.gather [hbm4b:s4+s2], $0x80, v3, vm0, $0xb8;
	[tilespmem:$0x8100] =	vst v63  }
0xb6: {  	_ = 	snop  }
0xb7: {  	[tilespmem:s20], [sflag:$0x1] =	stream.indirect_vreg.gather [hbm4b:s5+s2], $0x80, v3, vm0, $0xb8;
	[tilespmem:$0x8100] =	vst v63  }
0xb8: {  	_ = 	snop  }
0xb9: {  	[tilespmem:s21], [sflag:$0x1] =	stream.indirect_vreg.gather [hbm4b:s6+s2], $0x80, v3, vm0, $0xb8;
	[tilespmem:$0x8100] =	vst v63  }
0xba: {  	v3 =	vld [tilespmem:$0x8080];
	_ =	sdelay $0x4  }
0xbb: {  	v61 =	vshll.u32 v3, $0x3  }
0xbc: {  	v3 =	vand.u32 $0x7, v3;
	v4 =	vand.u32 $0xFFFFFFC0, v61  }
0xbd: {  	v3 =	vor.u32 v3, v4  }
0xbe: {  	v4 =	vperm.xlane v3, v0;
	_ =	sdelay $0x1  }
0xbf: {  	v4 =	vadd.s32 v1, v4;
	_ =	sdelay $0x4  }
0xc0: {  	[tilespmem:s22], [sflag:$0x2] =	stream.indirect_vreg.gather [hbm4b:s3+s2], $0x80, v4, vm0, $0xb8;
	[tilespmem:$0x8100] =	vst v63  }
0xc1: {  	v3 =	vperm.xlane v3, v2  }
0xc2: {  	[tilespmem:s23], [sflag:$0x2] =	stream.indirect_vreg.gather [hbm4b:s4+s2], $0x80, v4, vm0, $0xb8;
	[tilespmem:$0x8100] =	vst v63  }
0xc3: {  	v3 =	vadd.s32 v1, v3  }
0xc4: {  	[tilespmem:s24], [sflag:$0x2] =	stream.indirect_vreg.gather [hbm4b:s5+s2], $0x80, v4, vm0, $0xb8;
	[tilespmem:$0x8100] =	vst v63  }
0xc5: {  	_ = 	snop  }
0xc6: {  	[tilespmem:s25], [sflag:$0x2] =	stream.indirect_vreg.gather [hbm4b:s6+s2], $0x80, v4, vm0, $0xb8;
	[tilespmem:$0x8100] =	vst v63  }
0xc7: {  	_ = 	snop  }
0xc8: {  	[tilespmem:s26], [sflag:$0x2] =	stream.indirect_vreg.gather [hbm4b:s3+s2], $0x80, v3, vm0, $0xb8;
	[tilespmem:$0x8100] =	vst v63  }
0xc9: {  	_ = 	snop  }
0xca: {  	[tilespmem:s28], [sflag:$0x2] =	stream.indirect_vreg.gather [hbm4b:s4+s2], $0x80, v3, vm0, $0xb8;
	[tilespmem:$0x8100] =	vst v63  }
0xcb: {  	_ = 	snop  }
0xcc: {  	[tilespmem:s29], [sflag:$0x2] =	stream.indirect_vreg.gather [hbm4b:s5+s2], $0x80, v3, vm0, $0xb8;
	[tilespmem:$0x8100] =	vst v63  }
0xcd: {  	_ = 	snop  }
0xce: {  	[tilespmem:s30], [sflag:$0x2] =	stream.indirect_vreg.gather [hbm4b:s6+s2], $0x80, v3, vm0, $0xb8;
	[tilespmem:$0x8100] =	vst v63  }
0xcf: {  	_ =	swait.ge [sflag:s31], $0x4000  }
0xd0: {  	[sflag:s31] =	ssyncset.done $0x0  }
0xd1: {  	[sflag:s31] =	ssyncadd.s32 $0xFFFFC000  }
0xd2: {  	_ =	swait.ge [sflag:s0], $0x4000  }
0xd3: {  	[sflag:s0] =	ssyncset.done $0x0  }
0xd4: {  	s1 =	rddreg [dreg:$0xc];
	[sflag:s0] =	ssyncadd.s32 $0xFFFFC000  }
0xd5: {  	[hbm4b:s1+s2] =	stream.linear.scatter [tilespmem:s2], [sflag:$0x3], $0x4000, $0x38;
	[tilespmem:$0x8100] =	vst v63  }
0xd6: {  	_ =	swait.ge [sflag:s13], $0x4000  }
0xd7: {  	[sflag:s13] =	ssyncset.done $0x0  }
0xd8: {  	s1 =	rddreg [dreg:$0xd];
	[sflag:s13] =	ssyncadd.s32 $0xFFFFC000  }
0xd9: {  	[hbm4b:s1+s2] =	stream.linear.scatter [tilespmem:s22], [sflag:$0x3], $0x4000, $0x38;
	[tilespmem:$0x8100] =	vst v63  }
0xda: {  	_ =	swait.ge [sflag:s13], $0x4000  }
0xdb: {  	[sflag:s13] =	ssyncset.done $0x0  }
0xdc: {  	[sflag:s13] =	ssyncadd.s32 $0xFFFFC000  }
0xdd: {  	[tilespmem:s12], [sflag:$0x3] =	stream.linear.gather [hbm4b:s7+s2], $0x10, $0x38;
	[tilespmem:$0x8100] =	vst v63  }
0xde: {  	_ =	swait.ge [sflag:s13], $0x10  }
0xdf: {  	[sflag:s13] =	ssyncset.done $0x0  }
0xe0: {  	[sflag:s13] =	ssyncadd.s32 $0xFFFFFFF0  }
0xe1: {  	[tilespmem:s14], [sflag:$0x3] =	stream.linear.gather [hbm4b:s8+s2], $0x10, $0x38;
	[tilespmem:$0x8100] =	vst v63  }
0xe2: {  	_ =	swait.ge [sflag:s13], $0x10  }
0xe3: {  	[sflag:s13] =	ssyncset.done $0x0  }
0xe4: {  	[sflag:s13] =	ssyncadd.s32 $0xFFFFFFF0  }
0xe5: {  	v3 =	vld [tilespmem:$0x8000];
	_ =	sdelay $0x4  }
0xe6: {  	v62 =	vshll.u32 v3, $0x3  }
0xe7: {  	v3 =	vand.u32 $0x7, v3;
	v4 =	vand.u32 $0xFFFFFFC0, v62  }
0xe8: {  	v3 =	vor.u32 v3, v4  }
0xe9: {  	v4 =	vperm.xlane v3, v0;
	_ =	sdelay $0x1  }
0xea: {  	v4 =	vadd.s32 v1, v4;
	_ =	sdelay $0x4  }
0xeb: {  	[tilespmem:s2], [sflag:$0x1] =	stream.indirect_vreg.gather [hbm4b:s3+s2], $0x80, v4, vm0, $0xb8;
	[tilespmem:$0x8100] =	vst v63  }
0xec: {  	v3 =	vperm.xlane v3, v2  }
0xed: {  	[tilespmem:s15], [sflag:$0x1] =	stream.indirect_vreg.gather [hbm4b:s4+s2], $0x80, v4, vm0, $0xb8;
	[tilespmem:$0x8100] =	vst v63  }
0xee: {  	v3 =	vadd.s32 v1, v3  }
0xef: {  	[tilespmem:s16], [sflag:$0x1] =	stream.indirect_vreg.gather [hbm4b:s5+s2], $0x80, v4, vm0, $0xb8;
	[tilespmem:$0x8100] =	vst v63  }
0xf0: {  	_ = 	snop  }
0xf1: {  	[tilespmem:s17], [sflag:$0x1] =	stream.indirect_vreg.gather [hbm4b:s6+s2], $0x80, v4, vm0, $0xb8;
	[tilespmem:$0x8100] =	vst v63  }
0xf2: {  	_ = 	snop  }
0xf3: {  	[tilespmem:s18], [sflag:$0x1] =	stream.indirect_vreg.gather [hbm4b:s3+s2], $0x80, v3, vm0, $0xb8;
	[tilespmem:$0x8100] =	vst v63  }
0xf4: {  	_ = 	snop  }
0xf5: {  	[tilespmem:s19], [sflag:$0x1] =	stream.indirect_vreg.gather [hbm4b:s4+s2], $0x80, v3, vm0, $0xb8;
	[tilespmem:$0x8100] =	vst v63  }
0xf6: {  	_ = 	snop  }
0xf7: {  	[tilespmem:s20], [sflag:$0x1] =	stream.indirect_vreg.gather [hbm4b:s5+s2], $0x80, v3, vm0, $0xb8;
	[tilespmem:$0x8100] =	vst v63  }
0xf8: {  	_ = 	snop  }
0xf9: {  	[tilespmem:s21], [sflag:$0x1] =	stream.indirect_vreg.gather [hbm4b:s6+s2], $0x80, v3, vm0, $0xb8;
	[tilespmem:$0x8100] =	vst v63  }
0xfa: {  	v3 =	vld [tilespmem:$0x8080];
	_ =	sdelay $0x4  }
0xfb: {  	v63 =	vshll.u32 v3, $0x3  }
0xfc: {  	v3 =	vand.u32 $0x7, v3;
	v4 =	vand.u32 $0xFFFFFFC0, v63  }
0xfd: {  	v3 =	vor.u32 v3, v4  }
0xfe: {  	v4 =	vperm.xlane v3, v0;
	_ =	sdelay $0x1  }
0xff: {  	v4 =	vadd.s32 v1, v4;
	_ =	sdelay $0x4  }
0x100: {  	[tilespmem:s22], [sflag:$0x2] =	stream.indirect_vreg.gather [hbm4b:s3+s2], $0x80, v4, vm0, $0xb8;
	[tilespmem:$0x8100] =	vst v63  }
0x101: {  	v3 =	vperm.xlane v3, v2  }
0x102: {  	[tilespmem:s23], [sflag:$0x2] =	stream.indirect_vreg.gather [hbm4b:s4+s2], $0x80, v4, vm0, $0xb8;
	[tilespmem:$0x8100] =	vst v63  }
0x103: {  	v3 =	vadd.s32 v1, v3  }
0x104: {  	[tilespmem:s24], [sflag:$0x2] =	stream.indirect_vreg.gather [hbm4b:s5+s2], $0x80, v4, vm0, $0xb8;
	[tilespmem:$0x8100] =	vst v63  }
0x105: {  	_ = 	snop  }
0x106: {  	[tilespmem:s25], [sflag:$0x2] =	stream.indirect_vreg.gather [hbm4b:s6+s2], $0x80, v4, vm0, $0xb8;
	[tilespmem:$0x8100] =	vst v63  }
0x107: {  	_ = 	snop  }
0x108: {  	[tilespmem:s26], [sflag:$0x2] =	stream.indirect_vreg.gather [hbm4b:s3+s2], $0x80, v3, vm0, $0xb8;
	[tilespmem:$0x8100] =	vst v63  }
0x109: {  	_ = 	snop  }
0x10a: {  	[tilespmem:s28], [sflag:$0x2] =	stream.indirect_vreg.gather [hbm4b:s4+s2], $0x80, v3, vm0, $0xb8;
	[tilespmem:$0x8100] =	vst v63  }
0x10b: {  	_ = 	snop  }
0x10c: {  	[tilespmem:s29], [sflag:$0x2] =	stream.indirect_vreg.gather [hbm4b:s5+s2], $0x80, v3, vm0, $0xb8;
	[tilespmem:$0x8100] =	vst v63  }
0x10d: {  	_ = 	snop  }
0x10e: {  	[tilespmem:s30], [sflag:$0x2] =	stream.indirect_vreg.gather [hbm4b:s6+s2], $0x80, v3, vm0, $0xb8;
	[tilespmem:$0x8100] =	vst v63  }
0x10f: {  	_ =	swait.ge [sflag:s31], $0x4000  }
0x110: {  	[sflag:s31] =	ssyncset.done $0x0  }
0x111: {  	[sflag:s31] =	ssyncadd.s32 $0xFFFFC000  }
0x112: {  	_ =	swait.ge [sflag:s0], $0x4000  }
0x113: {  	[sflag:s0] =	ssyncset.done $0x0  }
0x114: {  	[sflag:s0] =	ssyncadd.s32 $0xFFFFC000  }
0x115: {  	[hbm4b:s9+s2] =	stream.linear.scatter [tilespmem:s2], [sflag:$0x3], $0x4000, $0x38;
	[tilespmem:$0x8100] =	vst v63  }
0x116: {  	_ =	swait.ge [sflag:s13], $0x4000  }
0x117: {  	p0 =	sne.s32 s11, $0x1;
	[sflag:s13] =	ssyncset.done $0x0  }
.Ltmp0:
0x118: {  	[sflag:s13] =	ssyncadd.s32 $0xFFFFC000;
	(pc) =	sbr.rel @p0 .LBB2_1-.Ltmp0, $4  }
0x119: {  	[hbm4b:s10+s2] =	stream.linear.scatter [tilespmem:s22], [sflag:$0x3], $0x4000, $0x38;
	[tilespmem:$0x8100] =	vst v63  }
0x11a: {  	_ =	swait.ge [sflag:s13], $0x4000  }
0x11b: {  	[sflag:s13] =	ssyncset.done $0x0  }
0x11c: {  	s11 =	sadd.s32 $0xFFFFFFFF, s11;
	[sflag:s13] =	ssyncadd.s32 $0xFFFFC000  }
0x11d: {  	_ =	sfence.sel $0x180000  }
0x11e: {  	[bflag:$0x0] =	sbarrier.arrive $0xFFFF  }
0x11f: {  	_ =	strace $0x9000004A  }
0x120: {  	s0 =	stileid.u32;
	[bflag:$0x2] =	sbarrier.arrive $0xFFFF  }
0x121: {  	p0 =	sne.s32 s0, $0x0;
	s0 =	rddreg [dreg:$0x1]  }
0x122: {  	s0 =	sadd.s32 @!p0 $0x100000, s0  }
0x123: {  	[sflag:s0] =	ssyncadd.tile.s32 @!p0 $0x1;
	_ =	shalt  }
.Lfunc_end2:
_tile_overlayer_lowered:
.L_overlay_start_2:
0x124: {  	(tag) =	ssettag $0x2  }
0x125: {  	s0 =	rddreg [dreg:$0x0];
	s2 =	stileid.u32  }
0x126: {  	s1 =	rddreg [dreg:$0x1];
	p0 =	sne.s32 s2, $0x0  }
0x127: {  	s3 =	rddreg [dreg:$0x2];
	[bflag:$0x3] =	sbarrier.arrive $0xFFFF;
	s2 =	simm.s32 @!p0 $0x1C03  }
0x128: {  	[timem:s3], [sflag:s2] =	dma.local @!p0 [hbm:s0], s1  }
0x129: {  	s0 =	simm.s32 @!p0 $0x3  }
0x12a: {  	_ =	swait.ge @!p0 [sflag:s0], s1  }
0x12b: {  	s1 =	ssub.s32 @!p0 $0x0, s1;
	[sflag:s0] =	ssyncset.done @!p0 $0x0  }
0x12c: {  	[sflag:s0] =	ssyncadd.s32 @!p0 s1  }
0x12d: {  	[bflag:$0x3] =	sbarrier.arrive $0xFFFF  }
0x12e: {  	_ =	shalt  }

// kernel: kernel.7.cloned.1.call-start
scs
__scs_entry_jumppad:
0x0: {  	(pc) =	sbr.rel $0x88, $3  }
0x1: {  	(tag) =	ssettag $0x0;
	lr =	simm.s32 $0x1  }
0x2: {  	[smem:$0x3F9A] =	sst lr;
	_ =	strace $0xD0000000  }
0x3: {  	_ = 	snop  }
0x4: {  	_ = 	snop  }
0x5: {  	_ = 	snop  }
0x6: {  	_ = 	snop  }
0x7: {  	_ = 	snop  }
__scs_overlays_trampoline_lowered:
0x8: {  	[smem:$0x3FA9] =	sst s0  }
0x9: {  	[smem:$0x3FAA] =	sst s1  }
0xa: {  	[smem:$0x3FAB] =	sst s2  }
0xb: {  	[smem:$0x3FAC] =	sst s3  }
0xc: {  	[smem:$0x3FAD] =	sst s4  }
0xd: {  	[smem:$0x3FAE] =	sst s5  }
0xe: {  	[smem:$0x3FAF] =	sst s6  }
0xf: {  	[smem:$0x3FB0] =	sst s7  }
0x10: {  	[smem:$0x3FB1] =	sst s8  }
0x11: {  	[smem:$0x3FB2] =	sst s9;
	s0 =	simm.s32 @!p0 $0x0  }
0x12: {  	s1 =	sld [smem:$0x3F98];
	s0 =	simm.s32 @p0 $0x1  }
0x13: {  	[smem:$0x3FB3] =	sst s0;
	s0 =	simm.s32 @!p1 $0x0  }
0x14: {  	s2 =	sld [smem:$0x3F97];
	s0 =	simm.s32 @p1 $0x1  }
0x15: {  	[smem:$0x3FB4] =	sst s0;
	s0 =	simm.s32 @!p2 $0x0  }
0x16: {  	s3 =	sld [smem:$0x3FDB];
	s0 =	simm.s32 @p2 $0x1  }
0x17: {  	s4 =	simm.s32 $0x1BF5;
	[smem:$0x3FB6] =	sst s0  }
0x18: {  	s0 =	sld [smem:$0x3F99];
	_ =	swait.ge [sflag:s4], $0x0  }
0x19: {  	s7 =	sld [smem:$0x3F9A]  }
0x1a: {  	s8 =	sadd.s32 $0xFFFFE003, lr  }
0x1b: {  	s9 =	sadd.s32 $0xFFFFFEF7, lr;
	s5 =	simm.s32 $0xFFFFFFFF;
	p2 =	slt.u32 s8, $0xFFFFF086  }
0x1c: {  	p1 =	slt.u32 s9, $0xF7A;
	s5 =	simm.s32 @!p2 $0x0  }
0x1d: {  	s5 =	simm.s32 @p1 $0x1;
	p0 =	seq.s32 s7, s2  }
0x1e: {  	s7 =	smul.u32 @!p0 $0xF7A, s2;
	p2 =	seq.s32 @!p0 s5, $0x0  }
0x1f: {  	s9 =	smul.u32 $0xF7A, s1;
	s8 =	simm.s32 @!p0 $0x1BF5;
	p2 =	por !p2, p0  }
0x20: {  	[sflag:s8] =	ssyncset.s32 @!p0 $0xFFFFF086;
	s6 =	sadd.s32 @!p0 s3, s7;
	s7 =	simm.s32 @!p0 $0x108  }
0x21: {  	s3 =	sadd.s32 s3, s9;
	s6 =	sadd.s32 @!p0 $0x88, s6;
	s7 =	simm.s32 @p2 $0x1082  }
0x22: {  	[simem:s7], [sflag:s8] =	dma.local @!p0 [hbm:s6], $0xF7A  }
0x23: {  	s9 =	sor.u32 $0xD0000000, s2;
	s6 =	simm.s32 $0x108;
	_ =	swait.ge @!p0 [sflag:s8], $0x0  }
0x24: {  	s3 =	sadd.s32 $0x88, s3;
	s6 =	simm.s32 @!p1 $0x1082;
	[sflag:s4] =	ssyncset.s32 $0xFFFFF086  }
0x25: {  	[simem:s6], [sflag:s4] =	dma.local [hbm:s3], $0xF7A  }
0x26: {  	[smem:$0x3F9A] =	sst s1;
	(tag) =	ssettag s2;
	_ =	strace s9  }
0x27: {  	s1 =	sld [smem:$0x3FAA]  }
0x28: {  	s2 =	sld [smem:$0x3FAB]  }
0x29: {  	s4 =	sld [smem:$0x3FAD]  }
0x2a: {  	p0 =	seq.s32 s5, $0x0;
	s5 =	sld [smem:$0x3FAE]  }
0x2b: {  	s6 =	sld [smem:$0x3FAF]  }
0x2c: {  	s7 =	sld [smem:$0x3FB0]  }
0x2d: {  	s3 =	simm.s32 $0x108;
	s8 =	sld [smem:$0x3FB1]  }
0x2e: {  	s3 =	simm.s32 @!p0 $0x1082;
	s9 =	sld [smem:$0x3FB2]  }
0x2f: {  	lr =	sadd.s32 s0, s3;
	s0 =	sld [smem:$0x3FA9]  }
0x30: {  	s3 =	sld [smem:$0x3FAC]  }
0x31: {  	[smem:$0x3FB5] =	sst s10  }
0x32: {  	s10 =	sld [smem:$0x3FB3];
	_ =	sdelay $0x3  }
0x33: {  	p0 =	seq.s32 s10, $0x1;
	s10 =	sld [smem:$0x3FB5];
	_ =	sdelay $0x3  }
0x34: {  	[smem:$0x3FB5] =	sst s10  }
0x35: {  	s10 =	sld [smem:$0x3FB4];
	_ =	sdelay $0x3  }
0x36: {  	p1 =	seq.s32 s10, $0x1;
	s10 =	sld [smem:$0x3FB5];
	_ =	sdelay $0x3  }
0x37: {  	[smem:$0x3FB5] =	sst s10  }
0x38: {  	s10 =	sld [smem:$0x3FB6]  }
0x39: {  	_ = 	snop;
	(pc) =	sbr.ind lr, $3  }
0x3a: {  	_ = 	snop  }
0x3b: {  	_ = 	snop  }
0x3c: {  	p2 =	seq.s32 s10, $0x1;
	s10 =	sld [smem:$0x3FB5]  }
0x3d: {  	_ =	shalt  }
0x3e: {  	_ =	shalt  }
0x3f: {  	_ =	shalt  }
0x40: {  	_ =	shalt  }
0x41: {  	_ =	shalt  }
0x42: {  	_ =	shalt  }
0x43: {  	_ =	shalt  }
0x44: {  	_ =	shalt  }
0x45: {  	_ =	shalt  }
0x46: {  	_ =	shalt  }
0x47: {  	_ =	shalt  }
0x48: {  	_ =	shalt  }
0x49: {  	_ =	shalt  }
0x4a: {  	_ =	shalt  }
0x4b: {  	_ =	shalt  }
0x4c: {  	_ =	shalt  }
0x4d: {  	_ =	shalt  }
0x4e: {  	_ =	shalt  }
0x4f: {  	_ =	shalt  }
0x50: {  	_ =	shalt  }
0x51: {  	_ =	shalt  }
0x52: {  	_ =	shalt  }
0x53: {  	_ =	shalt  }
0x54: {  	_ =	shalt  }
0x55: {  	_ =	shalt  }
0x56: {  	_ =	shalt  }
0x57: {  	_ =	shalt  }
0x58: {  	_ =	shalt  }
0x59: {  	_ =	shalt  }
0x5a: {  	_ =	shalt  }
0x5b: {  	_ =	shalt  }
0x5c: {  	_ =	shalt  }
0x5d: {  	_ =	shalt  }
0x5e: {  	_ =	shalt  }
0x5f: {  	_ =	shalt  }
0x60: {  	_ =	shalt  }
0x61: {  	_ =	shalt  }
0x62: {  	_ =	shalt  }
0x63: {  	_ =	shalt  }
0x64: {  	_ =	shalt  }
0x65: {  	_ =	shalt  }
0x66: {  	_ =	shalt  }
0x67: {  	_ =	shalt  }
0x68: {  	_ =	shalt  }
0x69: {  	_ =	shalt  }
0x6a: {  	_ =	shalt  }
0x6b: {  	_ =	shalt  }
0x6c: {  	_ =	shalt  }
0x6d: {  	_ =	shalt  }
0x6e: {  	_ =	shalt  }
0x6f: {  	_ =	shalt  }
0x70: {  	_ =	shalt  }
0x71: {  	_ =	shalt  }
0x72: {  	_ =	shalt  }
0x73: {  	_ =	shalt  }
0x74: {  	_ =	shalt  }
0x75: {  	_ =	shalt  }
0x76: {  	_ =	shalt  }
0x77: {  	_ =	shalt  }
0x78: {  	_ =	shalt  }
0x79: {  	_ =	shalt  }
0x7a: {  	_ =	shalt  }
0x7b: {  	_ =	shalt  }
0x7c: {  	_ =	shalt  }
0x7d: {  	_ =	shalt  }
0x7e: {  	_ =	shalt  }
0x7f: {  	_ =	shalt  }
0x80: {  	_ =	shalt  }
0x81: {  	_ =	shalt  }
0x82: {  	_ =	shalt  }
0x83: {  	_ =	shalt  }
0x84: {  	_ =	shalt  }
0x85: {  	_ =	shalt  }
0x86: {  	_ =	shalt  }
0x87: {  	_ =	shalt  }
.Lfunc_end0:
.L_simem_size_0:
called_computation_lowered:
.L_overlay_start_0:
0x88: {  	s2 =	sld [smem:$0x3FD9]  }
0x89: {  	s3 =	sld [smem:$0x3FFE];
	_ =	sdelay $0x1  }
0x8a: {  	s1 =	srdreg.scid  }
0x8b: {  	s0 =	sand.u32 $0x1, s1  }
0x8c: {  	s17 =	sshll.u32 s0, $0xA;
	s2 =	sadd.s32 s3, s2  }
0x8d: {  	s2 =	sadd.s32 s2, s17  }
0x8e: {  	[smem:$0x3FC1] =	sst s2  }
0x8f: {  	_ = 	snop  }
0x90: {  	s2 =	sld [smem:$0x3FC9];
	(tm) =	ssettm $0x1  }
0x91: {  	s18 =	sld [smem:$0x3FFB];
	_ =	sdelay $0x3  }
0x92: {  	_ =	strace s18  }
0x93: {  	s3 =	sld [smem:$0x3FFC];
	_ =	sdelay $0x3  }
0x94: {  	_ =	strace s3  }
0x95: {  	s3 =	sld [smem:$0x3FFD];
	_ =	sdelay $0x3  }
0x96: {  	_ =	strace s3  }
0x97: {  	_ =	strace $0x8FFFFFFF  }
0x98: {  	s19 =	sld [smem:$0x3FDB];
	_ =	sdelay $0x1  }
0x99: {  	s4 =	simm.s32 $_scs_section_size  }
0x9a: {  	s5 =	simm.s32 $_size__tile_overlayer_lowered;
	s6 =	simm.s32 $_tile_overlayer_lowered  }
0x9b: {  	s22 =	simm.s32 $0x1BFF;
	s21 =	sshll.u32 s6, $0x1;
	s3 =	sadd.s32 s4, s19  }
0x9c: {  	s7 =	simm.s32 $0x0;
	s20 =	sshll.u32 s5, $0x1;
	s5 =	sadd.s32 s21, s3  }
0x9d: {  	[timem:s7], [sflag:s22] =	dma.local [hbm:s5], s20  }
0x9e: {  	_ =	swait.ge [sflag:s22], s20  }
0x9f: {  	s4 =	ssub.s32 $0x0, s20;
	[sflag:s22] =	ssyncset.done $0x0  }
0xa0: {  	[sflag:s22] =	ssyncadd.s32 s4;
	_ =	sdelay $0x1  }
0xa1: {  	s23 =	simm.s32 $0x1B8B  }
0xa2: {  	_ =	swait.ge [sflag:s23], $0x1  }
0xa3: {  	[sflag:s23] =	ssyncset.done $0x0  }
0xa4: {  	s25 =	simm.s32 $0x1B8E;
	s24 =	sld [smem:$0x3FFE];
	[sflag:s23] =	ssyncadd.s32 $0xFFFFFFFF  }
0xa5: {  	s26 =	simm.s32 $execute0_lowered;
	[smem:$0x3FD2] =	sst s25  }
0xa6: {  	s5 =	sshll.u32 s26, $0x1;
	_ =	strace $0x80000046;
	[dreg:$0x1] =	wrdreg $0xFFFFFFFF  }
0xa7: {  	s28 =	simm.s32 $_size_execute0_lowered;
	s3 =	sadd.s32 s3, s5;
	[dreg:$0x0] =	wrdreg $0x0  }
0xa8: {  	s5 =	sshll.u32 s28, $0x1;
	[dreg:$0x2] =	wrdreg s3  }
0xa9: {  	[dreg:$0x3] =	wrdreg s5  }
0xaa: {  	[dreg:$0x4] =	wrdreg $0xC0  }
0xab: {  	_ =	task [dreg:s7], $0x5FFFF  }
0xac: {  	[dreg:$0x1] =	wrdreg $0xFFFFFFFF  }
0xad: {  	[dreg:$0x0] =	wrdreg $0x60  }
0xae: {  	[dreg:$0x2] =	wrdreg s2  }
0xaf: {  	[dreg:$0x3] =	wrdreg s24  }
0xb0: {  	[dreg:$0x4] =	wrdreg $0x9  }
0xb1: {  	_ =	task.clear_ibuf [dreg:s7], $0x5FFFF;
	_ =	strace $0x90000046  }
0xb2: {  	s29 =	simm.s32 $0x9;
	_ =	strace $0x80000048  }
0xb3: {  	_ =	swait.ge [sflag:s29], $0x1  }
0xb4: {  	[sflag:s29] =	ssyncadd.s32 $0xFFFFFFFF  }
0xb5: {  	_ =	strace $0x90000048  }
0xb6: {  	_ =	sfence  }
0xb7: {  	s30 =	sld [smem:$0x0];
	_ =	sdelay $0x2  }
0xb8: {  	s31 =	sshll.u32 s1, $0xD;
	s1 =	sshrl.u32 s1, $0x2  }
0xb9: {  	s3 =	sand.u32 $0x4000, s31;
	s1 =	sadd.s32 s1, s30  }
0xba: {  	s0 =	sor.u32 s3, s0;
	s1 =	sshll.u32 s1, $0x11  }
0xbb: {  	s0 =	sor.u32 s1, s0  }
0xbc: {  	s0 =	sadd.s32 $0x8F2B, s0  }
0xbd: {  	[sflag:s0] =	ssyncadd.remote.s32 $0x1  }
0xbe: {  	_ =	sfence.sel $0xFFFF  }
0xbf: {  	[dreg:$0x0] =	wrdreg $0xFFFFFFFF;
	(pc) =	sbr.abs _section_cstart, $3  }
0xc0: {  	[dreg:$0x1] =	wrdreg $0xFFFFFFFF  }
0xc1: {  	_ =	task.clear_ibuf [dreg:s7], $0x2FFFF;
	_ =	strace $0x9FFFFFFF  }
0xc2: {  	(tm) =	ssettm $0x7FFFFFFF  }
0xc3: {  	_ =	shalt  }
tec
execute0_lowered:
.L_overlay_start_1:
0x0: {  	(tag) =	ssettag $0x1  }
0x1: {  	s17 =	rddreg [dreg:$0x0]  }
0x2: {  	s8 =	rddreg [dreg:$0x1];
	s3 =	srdreg.scid  }
0x3: {  	s2 =	simm.s32 $0x0;
	s1 =	stileid.u32;
	s21 =	simm.s32 $0x4080  }
0x4: {  	s22 =	simm.s32 $0x800;
	s23 =	simm.s32 $0x1000;
	s28 =	simm.s32 $0x3000  }
0x5: {  	s29 =	simm.s32 $0x3800;
	s30 =	simm.s32 $0x1;
	s31 =	simm.s32 $0x2  }
0x6: {  	s3 =	sand.u32 $0x1, s3;
	[smem:$0x7FF] =	sst s2;
	s4 =	sshll.u32 s1, $0x7  }
0x7: {  	s15 =	sadd.s32 $0xA00, s8;
	s16 =	sadd.s32 $0x800, s8;
	s5 =	sshll.u32 s3, $0x6  }
0x8: {  	_ =	strace $0x80000047;
	s24 =	ssub.s32 $0x2, s3;
	s13 =	sor.u32 s5, s4  }
0x9: {  	s3 =	sadd.s32 $0xCA00, s8;
	s6 =	sshrl.u32 s24, $0x1;
	s5 =	sshrl.u32 s13, $0x3  }
0xa: {  	s18 =	ssub.s32 s24, s6;
	s25 =	sshll.u32 s13, $0x7;
	s11 =	sor.u32 $0x10, s13  }
0xb: {  	s6 =	sadd.s32 $0xCB00, s8;
	s14 =	sor.u32 $0x20, s13;
	s20 =	sor.u32 $0x30, s13  }
0xc: {  	s24 =	simm.s32 $0x1800;
	s7 =	sadd.s32 s15, s5;
	s4 =	sadd.s32 s16, s5  }
0xd: {  	s5 =	sadd.s32 s17, s25;
	s10 =	sshrl.u32 s11, $0x3;
	s11 =	sshll.u32 s11, $0x7  }
0xe: {  	s19 =	sshrl.u32 s14, $0x3;
	s14 =	sshll.u32 s14, $0x7;
	s26 =	sshrl.u32 s20, $0x3  }
0xf: {  	s20 =	sshll.u32 s20, $0x7;
	s18 =	smax.u32 s18, $0x1;
	s25 =	simm.s32 $0x2000  }
0x10: {  	[dreg:$0x3] =	wrdreg s7;
	s7 =	sadd.s32 $0xCC00, s8;
	s8 =	sadd.s32 $0xCD00, s8  }
0x11: {  	s9 =	sadd.s32 s15, s10;
	s10 =	sadd.s32 s16, s10;
	s11 =	sadd.s32 s17, s11  }
0x12: {  	v2 =	vlaneseq.u32;
	s12 =	sadd.s32 s15, s19;
	s13 =	sadd.s32 s16, s19;
	s14 =	sadd.s32 s17, s14  }
0x13: {  	vm0 =	vmmov $0xffff;
	v1 =	vshrl.u32 v2, $0x3;
	s15 =	sadd.s32 s15, s26;
	s16 =	sadd.s32 s16, s26;
	s17 =	sadd.s32 s17, s20  }
0x14: {  	v0 =	vand.u32 $0x7, v2;
	v2 =	vor.u32 $0x8, v2;
	v1 =	vmul.u32 $0x8, v1;
	s19 =	simm.s32 $0x4000;
	s20 =	simm.s32 $0x3;
	s26 =	simm.s32 $0x2800  }
.LBB2_1:
0x15: {  	s0 =	rddreg [dreg:$0x3]  }
0x16: {  	[tilespmem:s19], [sflag:$0x3] =	stream.linear.gather [hbm4b:s0+s2], $0x10, $0x38;
	[tilespmem:$0x4100] =	vst v63  }
0x17: {  	_ =	swait.ge [sflag:s20], $0x10  }
0x18: {  	[sflag:s20] =	ssyncset.done $0x0  }
0x19: {  	[sflag:s20] =	ssyncadd.s32 $0xFFFFFFF0  }
0x1a: {  	[tilespmem:s21], [sflag:$0x3] =	stream.linear.gather [hbm4b:s4+s2], $0x10, $0x38;
	[tilespmem:$0x4100] =	vst v63  }
0x1b: {  	_ =	swait.ge [sflag:s20], $0x10  }
0x1c: {  	[sflag:s20] =	ssyncset.done $0x0  }
0x1d: {  	[sflag:s20] =	ssyncadd.s32 $0xFFFFFFF0  }
0x1e: {  	[tilespmem:s2], [sflag:$0x3] =	stream.linear.gather [hbm4b:s5+s2], $0x4000, $0x38;
	[tilespmem:$0x4100] =	vst v63  }
0x1f: {  	_ =	swait.ge [sflag:s20], $0x4000  }
0x20: {  	[sflag:s20] =	ssyncset.done $0x0  }
0x21: {  	[sflag:s20] =	ssyncadd.s32 $0xFFFFC000  }
0x22: {  	v3 =	vld [tilespmem:$0x4000];
	_ =	sdelay $0x4  }
0x23: {  	v4 =	vshll.u32 v3, $0x3  }
0x24: {  	v3 =	vand.u32 $0x7, v3;
	v4 =	vand.u32 $0xFFFFFFC0, v4  }
0x25: {  	v3 =	vor.u32 v3, v4  }
0x26: {  	v4 =	vperm.xlane v3, v0;
	_ =	sdelay $0x1  }
0x27: {  	v4 =	vadd.s32 v1, v4;
	_ =	sdelay $0x4  }
0x28: {  	[hbm4b:s3+s2] =	stream.indirect_vreg.scatter [tilespmem:s2], [sflag:$0x1], $0x80, v4, vm0, $0xb8;
	[tilespmem:$0x4100] =	vst v63  }
0x29: {  	v3 =	vperm.xlane v3, v2  }
0x2a: {  	[hbm4b:s6+s2] =	stream.indirect_vreg.scatter [tilespmem:s22], [sflag:$0x1], $0x80, v4, vm0, $0xb8;
	[tilespmem:$0x4100] =	vst v63  }
0x2b: {  	v3 =	vadd.s32 v1, v3  }
0x2c: {  	[hbm4b:s7+s2] =	stream.indirect_vreg.scatter [tilespmem:s23], [sflag:$0x1], $0x80, v4, vm0, $0xb8;
	[tilespmem:$0x4100] =	vst v63  }
0x2d: {  	_ = 	snop  }
0x2e: {  	[hbm4b:s8+s2] =	stream.indirect_vreg.scatter [tilespmem:s24], [sflag:$0x1], $0x80, v4, vm0, $0xb8;
	[tilespmem:$0x4100] =	vst v63  }
0x2f: {  	_ = 	snop  }
0x30: {  	[hbm4b:s3+s2] =	stream.indirect_vreg.scatter [tilespmem:s25], [sflag:$0x1], $0x80, v3, vm0, $0xb8;
	[tilespmem:$0x4100] =	vst v63  }
0x31: {  	_ = 	snop  }
0x32: {  	[hbm4b:s6+s2] =	stream.indirect_vreg.scatter [tilespmem:s26], [sflag:$0x1], $0x80, v3, vm0, $0xb8;
	[tilespmem:$0x4100] =	vst v63  }
0x33: {  	_ = 	snop  }
0x34: {  	[hbm4b:s7+s2] =	stream.indirect_vreg.scatter [tilespmem:s28], [sflag:$0x1], $0x80, v3, vm0, $0xb8;
	[tilespmem:$0x4100] =	vst v63  }
0x35: {  	_ = 	snop  }
0x36: {  	[hbm4b:s8+s2] =	stream.indirect_vreg.scatter [tilespmem:s29], [sflag:$0x1], $0x80, v3, vm0, $0xb8;
	[tilespmem:$0x4100] =	vst v63  }
0x37: {  	v3 =	vld [tilespmem:$0x4080];
	_ =	sdelay $0x4  }
0x38: {  	v57 =	vshll.u32 v3, $0x3  }
0x39: {  	v3 =	vand.u32 $0x7, v3;
	v4 =	vand.u32 $0xFFFFFFC0, v57  }
0x3a: {  	v3 =	vor.u32 v3, v4  }
0x3b: {  	v4 =	vperm.xlane v3, v0;
	_ =	sdelay $0x1  }
0x3c: {  	v4 =	vadd.s32 v1, v4;
	_ =	sdelay $0x4  }
0x3d: {  	[hbm4b:s3+s2] =	stream.indirect_vreg.scatter [tilespmem:s2], [sflag:$0x2], $0x80, v4, vm0, $0xb8;
	[tilespmem:$0x4100] =	vst v63  }
0x3e: {  	v3 =	vperm.xlane v3, v2  }
0x3f: {  	[hbm4b:s6+s2] =	stream.indirect_vreg.scatter [tilespmem:s22], [sflag:$0x2], $0x80, v4, vm0, $0xb8;
	[tilespmem:$0x4100] =	vst v63  }
0x40: {  	v3 =	vadd.s32 v1, v3  }
0x41: {  	[hbm4b:s7+s2] =	stream.indirect_vreg.scatter [tilespmem:s23], [sflag:$0x2], $0x80, v4, vm0, $0xb8;
	[tilespmem:$0x4100] =	vst v63  }
0x42: {  	_ = 	snop  }
0x43: {  	[hbm4b:s8+s2] =	stream.indirect_vreg.scatter [tilespmem:s24], [sflag:$0x2], $0x80, v4, vm0, $0xb8;
	[tilespmem:$0x4100] =	vst v63  }
0x44: {  	_ = 	snop  }
0x45: {  	[hbm4b:s3+s2] =	stream.indirect_vreg.scatter [tilespmem:s25], [sflag:$0x2], $0x80, v3, vm0, $0xb8;
	[tilespmem:$0x4100] =	vst v63  }
0x46: {  	_ = 	snop  }
0x47: {  	[hbm4b:s6+s2] =	stream.indirect_vreg.scatter [tilespmem:s26], [sflag:$0x2], $0x80, v3, vm0, $0xb8;
	[tilespmem:$0x4100] =	vst v63  }
0x48: {  	_ = 	snop  }
0x49: {  	[hbm4b:s7+s2] =	stream.indirect_vreg.scatter [tilespmem:s28], [sflag:$0x2], $0x80, v3, vm0, $0xb8;
	[tilespmem:$0x4100] =	vst v63  }
0x4a: {  	_ = 	snop  }
0x4b: {  	[hbm4b:s8+s2] =	stream.indirect_vreg.scatter [tilespmem:s29], [sflag:$0x2], $0x80, v3, vm0, $0xb8;
	[tilespmem:$0x4100] =	vst v63  }
0x4c: {  	_ =	swait.ge [sflag:s30], $0x4000  }
0x4d: {  	[sflag:s30] =	ssyncset.done $0x0  }
0x4e: {  	[sflag:s30] =	ssyncadd.s32 $0xFFFFC000  }
0x4f: {  	_ =	swait.ge [sflag:s31], $0x4000  }
0x50: {  	[sflag:s31] =	ssyncset.done $0x0  }
0x51: {  	[sflag:s31] =	ssyncadd.s32 $0xFFFFC000  }
0x52: {  	[tilespmem:s19], [sflag:$0x3] =	stream.linear.gather [hbm4b:s9+s2], $0x10, $0x38;
	[tilespmem:$0x4100] =	vst v63  }
0x53: {  	_ =	swait.ge [sflag:s20], $0x10  }
0x54: {  	[sflag:s20] =	ssyncset.done $0x0  }
0x55: {  	[sflag:s20] =	ssyncadd.s32 $0xFFFFFFF0  }
0x56: {  	[tilespmem:s21], [sflag:$0x3] =	stream.linear.gather [hbm4b:s10+s2], $0x10, $0x38;
	[tilespmem:$0x4100] =	vst v63  }
0x57: {  	_ =	swait.ge [sflag:s20], $0x10  }
0x58: {  	[sflag:s20] =	ssyncset.done $0x0  }
0x59: {  	[sflag:s20] =	ssyncadd.s32 $0xFFFFFFF0  }
0x5a: {  	[tilespmem:s2], [sflag:$0x3] =	stream.linear.gather [hbm4b:s11+s2], $0x4000, $0x38;
	[tilespmem:$0x4100] =	vst v63  }
0x5b: {  	_ =	swait.ge [sflag:s20], $0x4000  }
0x5c: {  	[sflag:s20] =	ssyncset.done $0x0  }
0x5d: {  	[sflag:s20] =	ssyncadd.s32 $0xFFFFC000  }
0x5e: {  	v3 =	vld [tilespmem:$0x4000];
	_ =	sdelay $0x4  }
0x5f: {  	v58 =	vshll.u32 v3, $0x3  }
0x60: {  	v3 =	vand.u32 $0x7, v3;
	v4 =	vand.u32 $0xFFFFFFC0, v58  }
0x61: {  	v3 =	vor.u32 v3, v4  }
0x62: {  	v4 =	vperm.xlane v3, v0;
	_ =	sdelay $0x1  }
0x63: {  	v4 =	vadd.s32 v1, v4;
	_ =	sdelay $0x4  }
0x64: {  	[hbm4b:s3+s2] =	stream.indirect_vreg.scatter [tilespmem:s2], [sflag:$0x1], $0x80, v4, vm0, $0xb8;
	[tilespmem:$0x4100] =	vst v63  }
0x65: {  	v3 =	vperm.xlane v3, v2  }
0x66: {  	[hbm4b:s6+s2] =	stream.indirect_vreg.scatter [tilespmem:s22], [sflag:$0x1], $0x80, v4, vm0, $0xb8;
	[tilespmem:$0x4100] =	vst v63  }
0x67: {  	v3 =	vadd.s32 v1, v3  }
0x68: {  	[hbm4b:s7+s2] =	stream.indirect_vreg.scatter [tilespmem:s23], [sflag:$0x1], $0x80, v4, vm0, $0xb8;
	[tilespmem:$0x4100] =	vst v63  }
0x69: {  	_ = 	snop  }
0x6a: {  	[hbm4b:s8+s2] =	stream.indirect_vreg.scatter [tilespmem:s24], [sflag:$0x1], $0x80, v4, vm0, $0xb8;
	[tilespmem:$0x4100] =	vst v63  }
0x6b: {  	_ = 	snop  }
0x6c: {  	[hbm4b:s3+s2] =	stream.indirect_vreg.scatter [tilespmem:s25], [sflag:$0x1], $0x80, v3, vm0, $0xb8;
	[tilespmem:$0x4100] =	vst v63  }
0x6d: {  	_ = 	snop  }
0x6e: {  	[hbm4b:s6+s2] =	stream.indirect_vreg.scatter [tilespmem:s26], [sflag:$0x1], $0x80, v3, vm0, $0xb8;
	[tilespmem:$0x4100] =	vst v63  }
0x6f: {  	_ = 	snop  }
0x70: {  	[hbm4b:s7+s2] =	stream.indirect_vreg.scatter [tilespmem:s28], [sflag:$0x1], $0x80, v3, vm0, $0xb8;
	[tilespmem:$0x4100] =	vst v63  }
0x71: {  	_ = 	snop  }
0x72: {  	[hbm4b:s8+s2] =	stream.indirect_vreg.scatter [tilespmem:s29], [sflag:$0x1], $0x80, v3, vm0, $0xb8;
	[tilespmem:$0x4100] =	vst v63  }
0x73: {  	v3 =	vld [tilespmem:$0x4080];
	_ =	sdelay $0x4  }
0x74: {  	v59 =	vshll.u32 v3, $0x3  }
0x75: {  	v3 =	vand.u32 $0x7, v3;
	v4 =	vand.u32 $0xFFFFFFC0, v59  }
0x76: {  	v3 =	vor.u32 v3, v4  }
0x77: {  	v4 =	vperm.xlane v3, v0;
	_ =	sdelay $0x1  }
0x78: {  	v4 =	vadd.s32 v1, v4;
	_ =	sdelay $0x4  }
0x79: {  	[hbm4b:s3+s2] =	stream.indirect_vreg.scatter [tilespmem:s2], [sflag:$0x2], $0x80, v4, vm0, $0xb8;
	[tilespmem:$0x4100] =	vst v63  }
0x7a: {  	v3 =	vperm.xlane v3, v2  }
0x7b: {  	[hbm4b:s6+s2] =	stream.indirect_vreg.scatter [tilespmem:s22], [sflag:$0x2], $0x80, v4, vm0, $0xb8;
	[tilespmem:$0x4100] =	vst v63  }
0x7c: {  	v3 =	vadd.s32 v1, v3  }
0x7d: {  	[hbm4b:s7+s2] =	stream.indirect_vreg.scatter [tilespmem:s23], [sflag:$0x2], $0x80, v4, vm0, $0xb8;
	[tilespmem:$0x4100] =	vst v63  }
0x7e: {  	_ = 	snop  }
0x7f: {  	[hbm4b:s8+s2] =	stream.indirect_vreg.scatter [tilespmem:s24], [sflag:$0x2], $0x80, v4, vm0, $0xb8;
	[tilespmem:$0x4100] =	vst v63  }
0x80: {  	_ = 	snop  }
0x81: {  	[hbm4b:s3+s2] =	stream.indirect_vreg.scatter [tilespmem:s25], [sflag:$0x2], $0x80, v3, vm0, $0xb8;
	[tilespmem:$0x4100] =	vst v63  }
0x82: {  	_ = 	snop  }
0x83: {  	[hbm4b:s6+s2] =	stream.indirect_vreg.scatter [tilespmem:s26], [sflag:$0x2], $0x80, v3, vm0, $0xb8;
	[tilespmem:$0x4100] =	vst v63  }
0x84: {  	_ = 	snop  }
0x85: {  	[hbm4b:s7+s2] =	stream.indirect_vreg.scatter [tilespmem:s28], [sflag:$0x2], $0x80, v3, vm0, $0xb8;
	[tilespmem:$0x4100] =	vst v63  }
0x86: {  	_ = 	snop  }
0x87: {  	[hbm4b:s8+s2] =	stream.indirect_vreg.scatter [tilespmem:s29], [sflag:$0x2], $0x80, v3, vm0, $0xb8;
	[tilespmem:$0x4100] =	vst v63  }
0x88: {  	_ =	swait.ge [sflag:s30], $0x4000  }
0x89: {  	[sflag:s30] =	ssyncset.done $0x0  }
0x8a: {  	[sflag:s30] =	ssyncadd.s32 $0xFFFFC000  }
0x8b: {  	_ =	swait.ge [sflag:s31], $0x4000  }
0x8c: {  	[sflag:s31] =	ssyncset.done $0x0  }
0x8d: {  	[sflag:s31] =	ssyncadd.s32 $0xFFFFC000  }
0x8e: {  	[tilespmem:s19], [sflag:$0x3] =	stream.linear.gather [hbm4b:s12+s2], $0x10, $0x38;
	[tilespmem:$0x4100] =	vst v63  }
0x8f: {  	_ =	swait.ge [sflag:s20], $0x10  }
0x90: {  	[sflag:s20] =	ssyncset.done $0x0  }
0x91: {  	[sflag:s20] =	ssyncadd.s32 $0xFFFFFFF0  }
0x92: {  	[tilespmem:s21], [sflag:$0x3] =	stream.linear.gather [hbm4b:s13+s2], $0x10, $0x38;
	[tilespmem:$0x4100] =	vst v63  }
0x93: {  	_ =	swait.ge [sflag:s20], $0x10  }
0x94: {  	[sflag:s20] =	ssyncset.done $0x0  }
0x95: {  	[sflag:s20] =	ssyncadd.s32 $0xFFFFFFF0  }
0x96: {  	[tilespmem:s2], [sflag:$0x3] =	stream.linear.gather [hbm4b:s14+s2], $0x4000, $0x38;
	[tilespmem:$0x4100] =	vst v63  }
0x97: {  	_ =	swait.ge [sflag:s20], $0x4000  }
0x98: {  	[sflag:s20] =	ssyncset.done $0x0  }
0x99: {  	[sflag:s20] =	ssyncadd.s32 $0xFFFFC000  }
0x9a: {  	v3 =	vld [tilespmem:$0x4000];
	_ =	sdelay $0x4  }
0x9b: {  	v60 =	vshll.u32 v3, $0x3  }
0x9c: {  	v3 =	vand.u32 $0x7, v3;
	v4 =	vand.u32 $0xFFFFFFC0, v60  }
0x9d: {  	v3 =	vor.u32 v3, v4  }
0x9e: {  	v4 =	vperm.xlane v3, v0;
	_ =	sdelay $0x1  }
0x9f: {  	v4 =	vadd.s32 v1, v4;
	_ =	sdelay $0x4  }
0xa0: {  	[hbm4b:s3+s2] =	stream.indirect_vreg.scatter [tilespmem:s2], [sflag:$0x1], $0x80, v4, vm0, $0xb8;
	[tilespmem:$0x4100] =	vst v63  }
0xa1: {  	v3 =	vperm.xlane v3, v2  }
0xa2: {  	[hbm4b:s6+s2] =	stream.indirect_vreg.scatter [tilespmem:s22], [sflag:$0x1], $0x80, v4, vm0, $0xb8;
	[tilespmem:$0x4100] =	vst v63  }
0xa3: {  	v3 =	vadd.s32 v1, v3  }
0xa4: {  	[hbm4b:s7+s2] =	stream.indirect_vreg.scatter [tilespmem:s23], [sflag:$0x1], $0x80, v4, vm0, $0xb8;
	[tilespmem:$0x4100] =	vst v63  }
0xa5: {  	_ = 	snop  }
0xa6: {  	[hbm4b:s8+s2] =	stream.indirect_vreg.scatter [tilespmem:s24], [sflag:$0x1], $0x80, v4, vm0, $0xb8;
	[tilespmem:$0x4100] =	vst v63  }
0xa7: {  	_ = 	snop  }
0xa8: {  	[hbm4b:s3+s2] =	stream.indirect_vreg.scatter [tilespmem:s25], [sflag:$0x1], $0x80, v3, vm0, $0xb8;
	[tilespmem:$0x4100] =	vst v63  }
0xa9: {  	_ = 	snop  }
0xaa: {  	[hbm4b:s6+s2] =	stream.indirect_vreg.scatter [tilespmem:s26], [sflag:$0x1], $0x80, v3, vm0, $0xb8;
	[tilespmem:$0x4100] =	vst v63  }
0xab: {  	_ = 	snop  }
0xac: {  	[hbm4b:s7+s2] =	stream.indirect_vreg.scatter [tilespmem:s28], [sflag:$0x1], $0x80, v3, vm0, $0xb8;
	[tilespmem:$0x4100] =	vst v63  }
0xad: {  	_ = 	snop  }
0xae: {  	[hbm4b:s8+s2] =	stream.indirect_vreg.scatter [tilespmem:s29], [sflag:$0x1], $0x80, v3, vm0, $0xb8;
	[tilespmem:$0x4100] =	vst v63  }
0xaf: {  	v3 =	vld [tilespmem:$0x4080];
	_ =	sdelay $0x4  }
0xb0: {  	v61 =	vshll.u32 v3, $0x3  }
0xb1: {  	v3 =	vand.u32 $0x7, v3;
	v4 =	vand.u32 $0xFFFFFFC0, v61  }
0xb2: {  	v3 =	vor.u32 v3, v4  }
0xb3: {  	v4 =	vperm.xlane v3, v0;
	_ =	sdelay $0x1  }
0xb4: {  	v4 =	vadd.s32 v1, v4;
	_ =	sdelay $0x4  }
0xb5: {  	[hbm4b:s3+s2] =	stream.indirect_vreg.scatter [tilespmem:s2], [sflag:$0x2], $0x80, v4, vm0, $0xb8;
	[tilespmem:$0x4100] =	vst v63  }
0xb6: {  	v3 =	vperm.xlane v3, v2  }
0xb7: {  	[hbm4b:s6+s2] =	stream.indirect_vreg.scatter [tilespmem:s22], [sflag:$0x2], $0x80, v4, vm0, $0xb8;
	[tilespmem:$0x4100] =	vst v63  }
0xb8: {  	v3 =	vadd.s32 v1, v3  }
0xb9: {  	[hbm4b:s7+s2] =	stream.indirect_vreg.scatter [tilespmem:s23], [sflag:$0x2], $0x80, v4, vm0, $0xb8;
	[tilespmem:$0x4100] =	vst v63  }
0xba: {  	_ = 	snop  }
0xbb: {  	[hbm4b:s8+s2] =	stream.indirect_vreg.scatter [tilespmem:s24], [sflag:$0x2], $0x80, v4, vm0, $0xb8;
	[tilespmem:$0x4100] =	vst v63  }
0xbc: {  	_ = 	snop  }
0xbd: {  	[hbm4b:s3+s2] =	stream.indirect_vreg.scatter [tilespmem:s25], [sflag:$0x2], $0x80, v3, vm0, $0xb8;
	[tilespmem:$0x4100] =	vst v63  }
0xbe: {  	_ = 	snop  }
0xbf: {  	[hbm4b:s6+s2] =	stream.indirect_vreg.scatter [tilespmem:s26], [sflag:$0x2], $0x80, v3, vm0, $0xb8;
	[tilespmem:$0x4100] =	vst v63  }
0xc0: {  	_ = 	snop  }
0xc1: {  	[hbm4b:s7+s2] =	stream.indirect_vreg.scatter [tilespmem:s28], [sflag:$0x2], $0x80, v3, vm0, $0xb8;
	[tilespmem:$0x4100] =	vst v63  }
0xc2: {  	_ = 	snop  }
0xc3: {  	[hbm4b:s8+s2] =	stream.indirect_vreg.scatter [tilespmem:s29], [sflag:$0x2], $0x80, v3, vm0, $0xb8;
	[tilespmem:$0x4100] =	vst v63  }
0xc4: {  	_ =	swait.ge [sflag:s30], $0x4000  }
0xc5: {  	[sflag:s30] =	ssyncset.done $0x0  }
0xc6: {  	[sflag:s30] =	ssyncadd.s32 $0xFFFFC000  }
0xc7: {  	_ =	swait.ge [sflag:s31], $0x4000  }
0xc8: {  	[sflag:s31] =	ssyncset.done $0x0  }
0xc9: {  	[sflag:s31] =	ssyncadd.s32 $0xFFFFC000  }
0xca: {  	[tilespmem:s19], [sflag:$0x3] =	stream.linear.gather [hbm4b:s15+s2], $0x10, $0x38;
	[tilespmem:$0x4100] =	vst v63  }
0xcb: {  	_ =	swait.ge [sflag:s20], $0x10  }
0xcc: {  	[sflag:s20] =	ssyncset.done $0x0  }
0xcd: {  	[sflag:s20] =	ssyncadd.s32 $0xFFFFFFF0  }
0xce: {  	[tilespmem:s21], [sflag:$0x3] =	stream.linear.gather [hbm4b:s16+s2], $0x10, $0x38;
	[tilespmem:$0x4100] =	vst v63  }
0xcf: {  	_ =	swait.ge [sflag:s20], $0x10  }
0xd0: {  	[sflag:s20] =	ssyncset.done $0x0  }
0xd1: {  	[sflag:s20] =	ssyncadd.s32 $0xFFFFFFF0  }
0xd2: {  	[tilespmem:s2], [sflag:$0x3] =	stream.linear.gather [hbm4b:s17+s2], $0x4000, $0x38;
	[tilespmem:$0x4100] =	vst v63  }
0xd3: {  	_ =	swait.ge [sflag:s20], $0x4000  }
0xd4: {  	[sflag:s20] =	ssyncset.done $0x0  }
0xd5: {  	[sflag:s20] =	ssyncadd.s32 $0xFFFFC000  }
0xd6: {  	v3 =	vld [tilespmem:$0x4000];
	_ =	sdelay $0x4  }
0xd7: {  	v62 =	vshll.u32 v3, $0x3  }
0xd8: {  	v3 =	vand.u32 $0x7, v3;
	v4 =	vand.u32 $0xFFFFFFC0, v62  }
0xd9: {  	v3 =	vor.u32 v3, v4  }
0xda: {  	v4 =	vperm.xlane v3, v0;
	_ =	sdelay $0x1  }
0xdb: {  	v4 =	vadd.s32 v1, v4;
	_ =	sdelay $0x4  }
0xdc: {  	[hbm4b:s3+s2] =	stream.indirect_vreg.scatter [tilespmem:s2], [sflag:$0x1], $0x80, v4, vm0, $0xb8;
	[tilespmem:$0x4100] =	vst v63  }
0xdd: {  	v3 =	vperm.xlane v3, v2  }
0xde: {  	[hbm4b:s6+s2] =	stream.indirect_vreg.scatter [tilespmem:s22], [sflag:$0x1], $0x80, v4, vm0, $0xb8;
	[tilespmem:$0x4100] =	vst v63  }
0xdf: {  	v3 =	vadd.s32 v1, v3  }
0xe0: {  	[hbm4b:s7+s2] =	stream.indirect_vreg.scatter [tilespmem:s23], [sflag:$0x1], $0x80, v4, vm0, $0xb8;
	[tilespmem:$0x4100] =	vst v63  }
0xe1: {  	_ = 	snop  }
0xe2: {  	[hbm4b:s8+s2] =	stream.indirect_vreg.scatter [tilespmem:s24], [sflag:$0x1], $0x80, v4, vm0, $0xb8;
	[tilespmem:$0x4100] =	vst v63  }
0xe3: {  	_ = 	snop  }
0xe4: {  	[hbm4b:s3+s2] =	stream.indirect_vreg.scatter [tilespmem:s25], [sflag:$0x1], $0x80, v3, vm0, $0xb8;
	[tilespmem:$0x4100] =	vst v63  }
0xe5: {  	_ = 	snop  }
0xe6: {  	[hbm4b:s6+s2] =	stream.indirect_vreg.scatter [tilespmem:s26], [sflag:$0x1], $0x80, v3, vm0, $0xb8;
	[tilespmem:$0x4100] =	vst v63  }
0xe7: {  	_ = 	snop  }
0xe8: {  	[hbm4b:s7+s2] =	stream.indirect_vreg.scatter [tilespmem:s28], [sflag:$0x1], $0x80, v3, vm0, $0xb8;
	[tilespmem:$0x4100] =	vst v63  }
0xe9: {  	_ = 	snop  }
0xea: {  	[hbm4b:s8+s2] =	stream.indirect_vreg.scatter [tilespmem:s29], [sflag:$0x1], $0x80, v3, vm0, $0xb8;
	[tilespmem:$0x4100] =	vst v63  }
0xeb: {  	v3 =	vld [tilespmem:$0x4080];
	_ =	sdelay $0x4  }
0xec: {  	v63 =	vshll.u32 v3, $0x3  }
0xed: {  	v3 =	vand.u32 $0x7, v3;
	v4 =	vand.u32 $0xFFFFFFC0, v63  }
0xee: {  	v3 =	vor.u32 v3, v4  }
0xef: {  	v4 =	vperm.xlane v3, v0;
	_ =	sdelay $0x1  }
0xf0: {  	v4 =	vadd.s32 v1, v4;
	_ =	sdelay $0x4  }
0xf1: {  	[hbm4b:s3+s2] =	stream.indirect_vreg.scatter [tilespmem:s2], [sflag:$0x2], $0x80, v4, vm0, $0xb8;
	[tilespmem:$0x4100] =	vst v63  }
0xf2: {  	v3 =	vperm.xlane v3, v2  }
0xf3: {  	[hbm4b:s6+s2] =	stream.indirect_vreg.scatter [tilespmem:s22], [sflag:$0x2], $0x80, v4, vm0, $0xb8;
	[tilespmem:$0x4100] =	vst v63  }
0xf4: {  	v3 =	vadd.s32 v1, v3  }
0xf5: {  	[hbm4b:s7+s2] =	stream.indirect_vreg.scatter [tilespmem:s23], [sflag:$0x2], $0x80, v4, vm0, $0xb8;
	[tilespmem:$0x4100] =	vst v63  }
0xf6: {  	_ = 	snop  }
0xf7: {  	[hbm4b:s8+s2] =	stream.indirect_vreg.scatter [tilespmem:s24], [sflag:$0x2], $0x80, v4, vm0, $0xb8;
	[tilespmem:$0x4100] =	vst v63  }
0xf8: {  	_ = 	snop  }
0xf9: {  	[hbm4b:s3+s2] =	stream.indirect_vreg.scatter [tilespmem:s25], [sflag:$0x2], $0x80, v3, vm0, $0xb8;
	[tilespmem:$0x4100] =	vst v63  }
0xfa: {  	_ = 	snop  }
0xfb: {  	[hbm4b:s6+s2] =	stream.indirect_vreg.scatter [tilespmem:s26], [sflag:$0x2], $0x80, v3, vm0, $0xb8;
	[tilespmem:$0x4100] =	vst v63  }
0xfc: {  	_ = 	snop  }
0xfd: {  	[hbm4b:s7+s2] =	stream.indirect_vreg.scatter [tilespmem:s28], [sflag:$0x2], $0x80, v3, vm0, $0xb8;
	[tilespmem:$0x4100] =	vst v63  }
0xfe: {  	_ = 	snop  }
0xff: {  	[hbm4b:s8+s2] =	stream.indirect_vreg.scatter [tilespmem:s29], [sflag:$0x2], $0x80, v3, vm0, $0xb8;
	[tilespmem:$0x4100] =	vst v63  }
0x100: {  	p0 =	sne.s32 s18, $0x1;
	_ =	swait.ge [sflag:s30], $0x4000  }
.Ltmp0:
0x101: {  	[sflag:s30] =	ssyncset.done $0x0;
	(pc) =	sbr.rel @p0 .LBB2_1-.Ltmp0, $4  }
0x102: {  	[sflag:s30] =	ssyncadd.s32 $0xFFFFC000  }
0x103: {  	_ =	swait.ge [sflag:s31], $0x4000  }
0x104: {  	[sflag:s31] =	ssyncset.done $0x0  }
0x105: {  	s18 =	sadd.s32 $0xFFFFFFFF, s18;
	[sflag:s31] =	ssyncadd.s32 $0xFFFFC000  }
0x106: {  	_ =	sfence.sel $0x180000  }
0x107: {  	[bflag:$0x0] =	sbarrier.arrive $0xFFFF  }
0x108: {  	_ =	strace $0x90000047  }
0x109: {  	[bflag:$0x2] =	sbarrier.arrive $0xFFFF  }
0x10a: {  	p0 =	sne.s32 s1, $0x0;
	s0 =	rddreg [dreg:$0x2]  }
0x10b: {  	s0 =	sadd.s32 @!p0 $0x100000, s0  }
0x10c: {  	[sflag:s0] =	ssyncadd.tile.s32 @!p0 $0x1;
	_ =	shalt  }
.Lfunc_end2:
_tile_overlayer_lowered:
.L_overlay_start_2:
0x10d: {  	(tag) =	ssettag $0x2  }
0x10e: {  	s0 =	rddreg [dreg:$0x0];
	s2 =	stileid.u32  }
0x10f: {  	s1 =	rddreg [dreg:$0x1];
	p0 =	sne.s32 s2, $0x0  }
0x110: {  	s3 =	rddreg [dreg:$0x2];
	[bflag:$0x3] =	sbarrier.arrive $0xFFFF;
	s2 =	simm.s32 @!p0 $0x1C03  }
0x111: {  	[timem:s3], [sflag:s2] =	dma.local @!p0 [hbm:s0], s1  }
0x112: {  	s0 =	simm.s32 @!p0 $0x3  }
0x113: {  	_ =	swait.ge @!p0 [sflag:s0], s1  }
0x114: {  	s1 =	ssub.s32 @!p0 $0x0, s1;
	[sflag:s0] =	ssyncset.done @!p0 $0x0  }
0x115: {  	[sflag:s0] =	ssyncadd.s32 @!p0 s1  }
0x116: {  	[bflag:$0x3] =	sbarrier.arrive $0xFFFF  }
0x117: {  	_ =	shalt  }

</sc_bundles>
